<compile_context>
chip_gen: v7x
topology: tpu7x:2x2x1
jax: 0.10.2.dev20260603
libtpu: 0.0.44.dev20260713+nightly
codegen_flags: <defaults>
</compile_context>

<pallas_src>
import functools

import jax
import jax.numpy as jnp
from jax import lax
from jax.experimental import pallas as pl
from jax.experimental.pallas import tpu as pltpu
from jax.experimental.pallas import tpu_sc as plsc

NC = 2
NS = 16
L = 16
NW = NC * NS

N_POINTS = 100000
N_EDGES = 3200000
EPT = N_EDGES // NW
CH = 2000
NCHUNK = EPT // CH
RPS = N_POINTS // NS


@functools.partial(
    pl.kernel,
    out_type=(
        jax.ShapeDtypeStruct((N_EDGES, 3), jnp.float32),
        jax.ShapeDtypeStruct((N_EDGES, 3), jnp.float32),
    ),
    mesh=plsc.VectorSubcoreMesh(core_axis_name="c", subcore_axis_name="s"),
    scratch_types=[
        pltpu.VMEM((CH,), jnp.int32),
        pltpu.VMEM((CH,), jnp.int32),
        pltpu.VMEM((CH, 8), jnp.float32),
        pltpu.VMEM((CH, 8), jnp.float32),
        pltpu.VMEM((CH, 3), jnp.float32),
        pltpu.VMEM((L,), jnp.float32),
        pltpu.VMEM_SHARED((N_POINTS, 8), jnp.float32),
        pltpu.SemaphoreType.DMA,
        pltpu.SemaphoreType.DMA,
    ],
    compiler_params=pltpu.CompilerParams(
        use_tc_tiling_on_sc=False, needs_layout_passes=False
    ),
)
def _graph_gather(tab_hbm, eidx_hbm, mul_hbm, p1_hbm, p2_hbm,
                  idx_v0, idx_v1, rows8_0, rows8_1, rows3, mulv, tab_sh,
                  sem0, sem1):
    cid = lax.axis_index("c")
    sid = lax.axis_index("s")
    wid = sid * NC + cid

    pltpu.sync_copy(tab_hbm.at[pl.ds(sid * RPS, RPS)],
                    tab_sh.at[pl.ds(sid * RPS, RPS)])
    pltpu.sync_copy(mul_hbm, mulv)
    plsc.subcore_barrier()
    m = mulv[...]

    lanes = lax.iota(jnp.int32, 16)
    pats = []
    for j in range(3):
        p = j * 16 + lanes
        pats.append((p // 3, p - (p // 3) * 3))

    def compact_to(rows8):
        def compact(t, carry2):
            for j in range(3):
                r0, c0 = pats[j]
                r = t * 16 + r0
                v = plsc.load_gather(rows8, [r, c0])
                plsc.store_scatter(rows3, [r, c0], v * m)
            return carry2

        lax.fori_loop(0, CH // 16, compact, 0)

    def start_gather(e, g, idx_v, rows8, sem):
        base = wid * EPT + g * CH
        pltpu.sync_copy(eidx_hbm.at[pl.ds(e * N_EDGES + base, CH)], idx_v)
        pltpu.async_copy(tab_sh.at[idx_v], rows8, sem)

    for e, out_hbm in ((0, p1_hbm), (1, p2_hbm)):
        start_gather(e, 0, idx_v0, rows8_0, sem0)

        def pair_body(t, carry, e=e, out_hbm=out_hbm):
            g0 = 2 * t
            start_gather(e, g0 + 1, idx_v1, rows8_1, sem1)
            pltpu.make_async_copy(tab_sh.at[idx_v0], rows8_0, sem0).wait()
            compact_to(rows8_0)
            pltpu.sync_copy(rows3, out_hbm.at[pl.ds(wid * EPT + g0 * CH, CH)])

            @pl.when(g0 + 2 < NCHUNK)
            def _():
                start_gather(e, g0 + 2, idx_v0, rows8_0, sem0)

            pltpu.make_async_copy(tab_sh.at[idx_v1], rows8_1, sem1).wait()
            compact_to(rows8_1)
            pltpu.sync_copy(
                rows3, out_hbm.at[pl.ds(wid * EPT + (g0 + 1) * CH, CH)])
            return carry

        lax.fori_loop(0, NCHUNK // 2, pair_body, 0)


def kernel(coords, edge_index, mul):
    tab8 = jnp.pad(coords, ((0, 0), (0, 5)))
    eidx = edge_index.astype(jnp.int32).reshape(-1)
    mul16 = jnp.broadcast_to(mul, (L,))
    return _graph_gather(tab8, eidx, mul16)

# --- scband reference (transcript-rebuilt; emitter-appended) ---
"""Pipeline reference for scband-graph-t-25512105738666 (READ-ONLY COPY).

The authoritative reference and input builder live on the scoring server;
editing this copy changes nothing except your own understanding.
"""

import jax, jax.numpy as jnp
import numpy as np

N_POINTS = 100000
N_EDGES = 3200000

def setup_inputs(seed: int = 0) -> dict:
    key = jax.random.key(seed)
    k1, k2 = jax.random.split(key)
    coords = jax.random.normal(k1, (N_POINTS, 3), dtype=jnp.float32)
    edge_index = jax.random.randint(k2, (2, N_EDGES), 0, N_POINTS, dtype=jnp.int32).astype(jnp.int64)
    mul = jnp.ones((1,), dtype=jnp.float32)
    return {"coords": coords, "edge_index": edge_index, "mul": mul}

def reference(coords, edge_index, mul):
    # Faithful translation of graph_t.get_lines: for each connection (a, b),
    # gather the endpoint coordinates from the point store and scale by mul.
    # The original uses jax.vmap over batched connections with per-element
    # indexing self._points[pid._idx]; vmapped indexing lowers to a gather,
    # which we express directly with jnp.take.
    a = edge_index[0]
    b = edge_index[1]
    m = mul[0]
    p1 = jnp.take(coords, a, axis=0) * m
    p2 = jnp.take(coords, b, axis=0) * m
    return (p1, p2)

if __name__ == "__main__":
    import jax
    _d = setup_inputs()
    print(jax.jit(kernel)(*tuple(_d.values())))

</pallas_src>

<mosaic_0001>
#map = affine_map<(d0, d1) -> (0, 0)>
#map1 = affine_map<(d0, d1) -> (0)>
module attributes {stable_mosaic.version = 14 : i64} {
  func.func @_graph_gather(%arg0: i32, %arg1: i32, %arg2: memref<100000x8xf32, #tpu.memory_space<hbm>>, %arg3: memref<6400000xi32, #tpu.memory_space<hbm>>, %arg4: memref<16xf32, #tpu.memory_space<hbm>>, %arg5: memref<3200000x3xf32, #tpu.memory_space<hbm>>, %arg6: memref<3200000x3xf32, #tpu.memory_space<hbm>>, %arg7: memref<2000xi32, #tpu.memory_space<vmem>>, %arg8: memref<2000xi32, #tpu.memory_space<vmem>>, %arg9: memref<2000x8xf32, #tpu.memory_space<vmem>>, %arg10: memref<2000x8xf32, #tpu.memory_space<vmem>>, %arg11: memref<2000x3xf32, #tpu.memory_space<vmem>>, %arg12: memref<16xf32, #tpu.memory_space<vmem>>, %arg13: memref<100000x8xf32, #tpu.memory_space<vmem_shared>>, %arg14: memref<!tpu.dma_semaphore, #tpu.memory_space<semaphore_mem>>, %arg15: memref<!tpu.dma_semaphore, #tpu.memory_space<semaphore_mem>>) attributes {dimension_semantics = [#tpu.dimension_semantics<core_parallel>, #tpu.dimension_semantics<subcore_parallel>], iteration_bounds = array<i64: 2, 16>, scalar_prefetch = 0 : i64, scratch_operands = 9 : i64, tpu.core_type = #tpu.core_type<sc_vector_subcore>, window_params = [{transform_indices = #map}, {transform_indices = #map1}, {transform_indices = #map1}, {transform_indices = #map}, {transform_indices = #map}]} {
    %mul3A = arith.constant 2 : i32
    %mul3A_0 = arith.muli %arg1, %mul3A : i32
    %add3A = arith.addi %mul3A_0, %arg0 : i32
    %mul3A_1 = arith.constant 6250 : i32
    %mul3A_2 = arith.muli %arg1, %mul3A_1 : i32
    %mul3A_3 = arith.constant 6250 : i32
    %mul3A_4 = arith.muli %arg1, %mul3A_3 : i32
    "tpu.region"() ({
      %run_scoped3A = tpu.sem_alloc : memref<!tpu.dma_semaphore, #tpu.memory_space<semaphore_mem>>
      %dma_start3A_233 = arith.constant 0 : i32
      %dma_start3A_234 = tpu.memref_slice %arg13[%mul3A_4, %dma_start3A_233] : memref<100000x8xf32, #tpu.memory_space<vmem_shared>> -> memref<6250x8xf32, #tpu.memory_space<vmem_shared>>
      %dma_start3A_235 = arith.constant 0 : i32
      %dma_start3A_236 = tpu.memref_slice %arg2[%mul3A_2, %dma_start3A_235] : memref<100000x8xf32, #tpu.memory_space<hbm>> -> memref<6250x8xf32, #tpu.memory_space<hbm>>
      tpu.enqueue_dma source(%dma_start3A_236 : memref<6250x8xf32, #tpu.memory_space<hbm>>) target(%dma_start3A_234 : memref<6250x8xf32, #tpu.memory_space<vmem_shared>>) target_semaphore(%run_scoped3A : memref<!tpu.dma_semaphore, #tpu.memory_space<semaphore_mem>>)
      %dma_wait3A = arith.constant 0 : i32
      %dma_wait3A_237 = tpu.memref_slice %arg13[%mul3A_4, %dma_wait3A] : memref<100000x8xf32, #tpu.memory_space<vmem_shared>> -> memref<6250x8xf32, #tpu.memory_space<vmem_shared>>
      %dma_wait3A_238 = arith.constant 0 : i32
      %dma_wait3A_239 = tpu.memref_slice %arg2[%mul3A_2, %dma_wait3A_238] : memref<100000x8xf32, #tpu.memory_space<hbm>> -> memref<6250x8xf32, #tpu.memory_space<hbm>>
      tpu.wait_dma2 semaphore(%run_scoped3A : memref<!tpu.dma_semaphore, #tpu.memory_space<semaphore_mem>>) src(%dma_wait3A_239 : memref<6250x8xf32, #tpu.memory_space<hbm>>) dst(%dma_wait3A_237 : memref<6250x8xf32, #tpu.memory_space<vmem_shared>>)
      tpu.yield
    }) : () -> ()
    "tpu.region"() ({
      %run_scoped3A = tpu.sem_alloc : memref<!tpu.dma_semaphore, #tpu.memory_space<semaphore_mem>>
      tpu.enqueue_dma source(%arg4 : memref<16xf32, #tpu.memory_space<hbm>>) target(%arg12 : memref<16xf32, #tpu.memory_space<vmem>>) target_semaphore(%run_scoped3A : memref<!tpu.dma_semaphore, #tpu.memory_space<semaphore_mem>>)
      tpu.wait_dma2 semaphore(%run_scoped3A : memref<!tpu.dma_semaphore, #tpu.memory_space<semaphore_mem>>) src(%arg4 : memref<16xf32, #tpu.memory_space<hbm>>) dst(%arg12 : memref<16xf32, #tpu.memory_space<vmem>>)
      tpu.yield
    }) : () -> ()
    %barrier3A = arith.constant 0 : index
    tpu.barrier barrier_id(%barrier3A)
    %get3A = arith.constant 0 : index
    %get3A_5 = tpu.vector_load %arg12[%get3A] {strides = array<i32>} : memref<16xf32, #tpu.memory_space<vmem>>, vector<16xf32>,
    %iota3A = tpu.iota {dimensions = array<i32: 0>} : vector<16xi32>
    %add3A_6 = arith.constant 0 : i32
    %add3A_7 = vector.broadcast %add3A_6 : i32 to vector<16xi32>
    %add3A_8 = arith.addi %add3A_7, %iota3A : vector<16xi32>
    %jit3A = arith.constant 3 : i32
    %div3A = vector.broadcast %jit3A : i32 to vector<16xi32>
    %div3A_9 = arith.divsi %add3A_8, %div3A : vector<16xi32>
    %sign3A = arith.constant 0 : i32
    %sign3A_10 = vector.broadcast %sign3A : i32 to vector<16xi32>
    %sign3A_11 = arith.cmpi sgt, %add3A_8, %sign3A_10 : vector<16xi32>
    %sign3A_12 = arith.extui %sign3A_11 : vector<16xi1> to vector<16xi32>
    %sign3A_13 = arith.constant 0 : i32
    %sign3A_14 = vector.broadcast %sign3A_13 : i32 to vector<16xi32>
    %sign3A_15 = arith.cmpi slt, %add3A_8, %sign3A_14 : vector<16xi32>
    %sign3A_16 = arith.extui %sign3A_15 : vector<16xi1> to vector<16xi32>
    %sign3A_17 = arith.subi %sign3A_12, %sign3A_16 : vector<16xi32>
    %sign3A_18 = arith.constant 0 : i32
    %sign3A_19 = arith.cmpi sgt, %jit3A, %sign3A_18 : i32
    %sign3A_20 = arith.extui %sign3A_19 : i1 to i32
    %sign3A_21 = arith.constant 0 : i32
    %sign3A_22 = arith.cmpi slt, %jit3A, %sign3A_21 : i32
    %sign3A_23 = arith.extui %sign3A_22 : i1 to i32
    %sign3A_24 = arith.subi %sign3A_20, %sign3A_23 : i32
    %ne3A = vector.broadcast %sign3A_24 : i32 to vector<16xi32>
    %ne3A_25 = arith.cmpi ne, %sign3A_17, %ne3A : vector<16xi32>
    %rem3A = vector.broadcast %jit3A : i32 to vector<16xi32>
    %rem3A_26 = arith.remsi %add3A_8, %rem3A : vector<16xi32>
    %ne3A_27 = arith.constant 0 : i32
    %ne3A_28 = vector.broadcast %ne3A_27 : i32 to vector<16xi32>
    %ne3A_29 = arith.cmpi ne, %rem3A_26, %ne3A_28 : vector<16xi32>
    %and3A = arith.andi %ne3A_25, %ne3A_29 : vector<16xi1>
    %sub3A = arith.constant 1 : i32
    %sub3A_30 = vector.broadcast %sub3A : i32 to vector<16xi32>
    %sub3A_31 = arith.subi %div3A_9, %sub3A_30 : vector<16xi32>
    %select_n3A = arith.select %and3A, %sub3A_31, %div3A_9 : vector<16xi1>, vector<16xi32>
    %jit3A_32 = arith.constant 3 : i32
    %div3A_33 = vector.broadcast %jit3A_32 : i32 to vector<16xi32>
    %div3A_34 = arith.divsi %add3A_8, %div3A_33 : vector<16xi32>
    %sign3A_35 = arith.constant 0 : i32
    %sign3A_36 = vector.broadcast %sign3A_35 : i32 to vector<16xi32>
    %sign3A_37 = arith.cmpi sgt, %add3A_8, %sign3A_36 : vector<16xi32>
    %sign3A_38 = arith.extui %sign3A_37 : vector<16xi1> to vector<16xi32>
    %sign3A_39 = arith.constant 0 : i32
    %sign3A_40 = vector.broadcast %sign3A_39 : i32 to vector<16xi32>
    %sign3A_41 = arith.cmpi slt, %add3A_8, %sign3A_40 : vector<16xi32>
    %sign3A_42 = arith.extui %sign3A_41 : vector<16xi1> to vector<16xi32>
    %sign3A_43 = arith.subi %sign3A_38, %sign3A_42 : vector<16xi32>
    %sign3A_44 = arith.constant 0 : i32
    %sign3A_45 = arith.cmpi sgt, %jit3A_32, %sign3A_44 : i32
    %sign3A_46 = arith.extui %sign3A_45 : i1 to i32
    %sign3A_47 = arith.constant 0 : i32
    %sign3A_48 = arith.cmpi slt, %jit3A_32, %sign3A_47 : i32
    %sign3A_49 = arith.extui %sign3A_48 : i1 to i32
    %sign3A_50 = arith.subi %sign3A_46, %sign3A_49 : i32
    %ne3A_51 = vector.broadcast %sign3A_50 : i32 to vector<16xi32>
    %ne3A_52 = arith.cmpi ne, %sign3A_43, %ne3A_51 : vector<16xi32>
    %rem3A_53 = vector.broadcast %jit3A_32 : i32 to vector<16xi32>
    %rem3A_54 = arith.remsi %add3A_8, %rem3A_53 : vector<16xi32>
    %ne3A_55 = arith.constant 0 : i32
    %ne3A_56 = vector.broadcast %ne3A_55 : i32 to vector<16xi32>
    %ne3A_57 = arith.cmpi ne, %rem3A_54, %ne3A_56 : vector<16xi32>
    %and3A_58 = arith.andi %ne3A_52, %ne3A_57 : vector<16xi1>
    %sub3A_59 = arith.constant 1 : i32
    %sub3A_60 = vector.broadcast %sub3A_59 : i32 to vector<16xi32>
    %sub3A_61 = arith.subi %div3A_34, %sub3A_60 : vector<16xi32>
    %select_n3A_62 = arith.select %and3A_58, %sub3A_61, %div3A_34 : vector<16xi1>, vector<16xi32>
    %mul3A_63 = arith.constant 3 : i32
    %mul3A_64 = vector.broadcast %mul3A_63 : i32 to vector<16xi32>
    %mul3A_65 = arith.muli %select_n3A_62, %mul3A_64 : vector<16xi32>
    %sub3A_66 = arith.subi %add3A_8, %mul3A_65 : vector<16xi32>
    %add3A_67 = arith.constant 16 : i32
    %add3A_68 = vector.broadcast %add3A_67 : i32 to vector<16xi32>
    %add3A_69 = arith.addi %add3A_68, %iota3A : vector<16xi32>
    %jit3A_70 = arith.constant 3 : i32
    %div3A_71 = vector.broadcast %jit3A_70 : i32 to vector<16xi32>
    %div3A_72 = arith.divsi %add3A_69, %div3A_71 : vector<16xi32>
    %sign3A_73 = arith.constant 0 : i32
    %sign3A_74 = vector.broadcast %sign3A_73 : i32 to vector<16xi32>
    %sign3A_75 = arith.cmpi sgt, %add3A_69, %sign3A_74 : vector<16xi32>
    %sign3A_76 = arith.extui %sign3A_75 : vector<16xi1> to vector<16xi32>
    %sign3A_77 = arith.constant 0 : i32
    %sign3A_78 = vector.broadcast %sign3A_77 : i32 to vector<16xi32>
    %sign3A_79 = arith.cmpi slt, %add3A_69, %sign3A_78 : vector<16xi32>
    %sign3A_80 = arith.extui %sign3A_79 : vector<16xi1> to vector<16xi32>
    %sign3A_81 = arith.subi %sign3A_76, %sign3A_80 : vector<16xi32>
    %sign3A_82 = arith.constant 0 : i32
    %sign3A_83 = arith.cmpi sgt, %jit3A_70, %sign3A_82 : i32
    %sign3A_84 = arith.extui %sign3A_83 : i1 to i32
    %sign3A_85 = arith.constant 0 : i32
    %sign3A_86 = arith.cmpi slt, %jit3A_70, %sign3A_85 : i32
    %sign3A_87 = arith.extui %sign3A_86 : i1 to i32
    %sign3A_88 = arith.subi %sign3A_84, %sign3A_87 : i32
    %ne3A_89 = vector.broadcast %sign3A_88 : i32 to vector<16xi32>
    %ne3A_90 = arith.cmpi ne, %sign3A_81, %ne3A_89 : vector<16xi32>
    %rem3A_91 = vector.broadcast %jit3A_70 : i32 to vector<16xi32>
    %rem3A_92 = arith.remsi %add3A_69, %rem3A_91 : vector<16xi32>
    %ne3A_93 = arith.constant 0 : i32
    %ne3A_94 = vector.broadcast %ne3A_93 : i32 to vector<16xi32>
    %ne3A_95 = arith.cmpi ne, %rem3A_92, %ne3A_94 : vector<16xi32>
    %and3A_96 = arith.andi %ne3A_90, %ne3A_95 : vector<16xi1>
    %sub3A_97 = arith.constant 1 : i32
    %sub3A_98 = vector.broadcast %sub3A_97 : i32 to vector<16xi32>
    %sub3A_99 = arith.subi %div3A_72, %sub3A_98 : vector<16xi32>
    %select_n3A_100 = arith.select %and3A_96, %sub3A_99, %div3A_72 : vector<16xi1>, vector<16xi32>
    %jit3A_101 = arith.constant 3 : i32
    %div3A_102 = vector.broadcast %jit3A_101 : i32 to vector<16xi32>
    %div3A_103 = arith.divsi %add3A_69, %div3A_102 : vector<16xi32>
    %sign3A_104 = arith.constant 0 : i32
    %sign3A_105 = vector.broadcast %sign3A_104 : i32 to vector<16xi32>
    %sign3A_106 = arith.cmpi sgt, %add3A_69, %sign3A_105 : vector<16xi32>
    %sign3A_107 = arith.extui %sign3A_106 : vector<16xi1> to vector<16xi32>
    %sign3A_108 = arith.constant 0 : i32
    %sign3A_109 = vector.broadcast %sign3A_108 : i32 to vector<16xi32>
    %sign3A_110 = arith.cmpi slt, %add3A_69, %sign3A_109 : vector<16xi32>
    %sign3A_111 = arith.extui %sign3A_110 : vector<16xi1> to vector<16xi32>
    %sign3A_112 = arith.subi %sign3A_107, %sign3A_111 : vector<16xi32>
    %sign3A_113 = arith.constant 0 : i32
    %sign3A_114 = arith.cmpi sgt, %jit3A_101, %sign3A_113 : i32
    %sign3A_115 = arith.extui %sign3A_114 : i1 to i32
    %sign3A_116 = arith.constant 0 : i32
    %sign3A_117 = arith.cmpi slt, %jit3A_101, %sign3A_116 : i32
    %sign3A_118 = arith.extui %sign3A_117 : i1 to i32
    %sign3A_119 = arith.subi %sign3A_115, %sign3A_118 : i32
    %ne3A_120 = vector.broadcast %sign3A_119 : i32 to vector<16xi32>
    %ne3A_121 = arith.cmpi ne, %sign3A_112, %ne3A_120 : vector<16xi32>
    %rem3A_122 = vector.broadcast %jit3A_101 : i32 to vector<16xi32>
    %rem3A_123 = arith.remsi %add3A_69, %rem3A_122 : vector<16xi32>
    %ne3A_124 = arith.constant 0 : i32
    %ne3A_125 = vector.broadcast %ne3A_124 : i32 to vector<16xi32>
    %ne3A_126 = arith.cmpi ne, %rem3A_123, %ne3A_125 : vector<16xi32>
    %and3A_127 = arith.andi %ne3A_121, %ne3A_126 : vector<16xi1>
    %sub3A_128 = arith.constant 1 : i32
    %sub3A_129 = vector.broadcast %sub3A_128 : i32 to vector<16xi32>
    %sub3A_130 = arith.subi %div3A_103, %sub3A_129 : vector<16xi32>
    %select_n3A_131 = arith.select %and3A_127, %sub3A_130, %div3A_103 : vector<16xi1>, vector<16xi32>
    %mul3A_132 = arith.constant 3 : i32
    %mul3A_133 = vector.broadcast %mul3A_132 : i32 to vector<16xi32>
    %mul3A_134 = arith.muli %select_n3A_131, %mul3A_133 : vector<16xi32>
    %sub3A_135 = arith.subi %add3A_69, %mul3A_134 : vector<16xi32>
    %add3A_136 = arith.constant 32 : i32
    %add3A_137 = vector.broadcast %add3A_136 : i32 to vector<16xi32>
    %add3A_138 = arith.addi %add3A_137, %iota3A : vector<16xi32>
    %jit3A_139 = arith.constant 3 : i32
    %div3A_140 = vector.broadcast %jit3A_139 : i32 to vector<16xi32>
    %div3A_141 = arith.divsi %add3A_138, %div3A_140 : vector<16xi32>
    %sign3A_142 = arith.constant 0 : i32
    %sign3A_143 = vector.broadcast %sign3A_142 : i32 to vector<16xi32>
    %sign3A_144 = arith.cmpi sgt, %add3A_138, %sign3A_143 : vector<16xi32>
    %sign3A_145 = arith.extui %sign3A_144 : vector<16xi1> to vector<16xi32>
    %sign3A_146 = arith.constant 0 : i32
    %sign3A_147 = vector.broadcast %sign3A_146 : i32 to vector<16xi32>
    %sign3A_148 = arith.cmpi slt, %add3A_138, %sign3A_147 : vector<16xi32>
    %sign3A_149 = arith.extui %sign3A_148 : vector<16xi1> to vector<16xi32>
    %sign3A_150 = arith.subi %sign3A_145, %sign3A_149 : vector<16xi32>
    %sign3A_151 = arith.constant 0 : i32
    %sign3A_152 = arith.cmpi sgt, %jit3A_139, %sign3A_151 : i32
    %sign3A_153 = arith.extui %sign3A_152 : i1 to i32
    %sign3A_154 = arith.constant 0 : i32
    %sign3A_155 = arith.cmpi slt, %jit3A_139, %sign3A_154 : i32
    %sign3A_156 = arith.extui %sign3A_155 : i1 to i32
    %sign3A_157 = arith.subi %sign3A_153, %sign3A_156 : i32
    %ne3A_158 = vector.broadcast %sign3A_157 : i32 to vector<16xi32>
    %ne3A_159 = arith.cmpi ne, %sign3A_150, %ne3A_158 : vector<16xi32>
    %rem3A_160 = vector.broadcast %jit3A_139 : i32 to vector<16xi32>
    %rem3A_161 = arith.remsi %add3A_138, %rem3A_160 : vector<16xi32>
    %ne3A_162 = arith.constant 0 : i32
    %ne3A_163 = vector.broadcast %ne3A_162 : i32 to vector<16xi32>
    %ne3A_164 = arith.cmpi ne, %rem3A_161, %ne3A_163 : vector<16xi32>
    %and3A_165 = arith.andi %ne3A_159, %ne3A_164 : vector<16xi1>
    %sub3A_166 = arith.constant 1 : i32
    %sub3A_167 = vector.broadcast %sub3A_166 : i32 to vector<16xi32>
    %sub3A_168 = arith.subi %div3A_141, %sub3A_167 : vector<16xi32>
    %select_n3A_169 = arith.select %and3A_165, %sub3A_168, %div3A_141 : vector<16xi1>, vector<16xi32>
    %jit3A_170 = arith.constant 3 : i32
    %div3A_171 = vector.broadcast %jit3A_170 : i32 to vector<16xi32>
    %div3A_172 = arith.divsi %add3A_138, %div3A_171 : vector<16xi32>
    %sign3A_173 = arith.constant 0 : i32
    %sign3A_174 = vector.broadcast %sign3A_173 : i32 to vector<16xi32>
    %sign3A_175 = arith.cmpi sgt, %add3A_138, %sign3A_174 : vector<16xi32>
    %sign3A_176 = arith.extui %sign3A_175 : vector<16xi1> to vector<16xi32>
    %sign3A_177 = arith.constant 0 : i32
    %sign3A_178 = vector.broadcast %sign3A_177 : i32 to vector<16xi32>
    %sign3A_179 = arith.cmpi slt, %add3A_138, %sign3A_178 : vector<16xi32>
    %sign3A_180 = arith.extui %sign3A_179 : vector<16xi1> to vector<16xi32>
    %sign3A_181 = arith.subi %sign3A_176, %sign3A_180 : vector<16xi32>
    %sign3A_182 = arith.constant 0 : i32
    %sign3A_183 = arith.cmpi sgt, %jit3A_170, %sign3A_182 : i32
    %sign3A_184 = arith.extui %sign3A_183 : i1 to i32
    %sign3A_185 = arith.constant 0 : i32
    %sign3A_186 = arith.cmpi slt, %jit3A_170, %sign3A_185 : i32
    %sign3A_187 = arith.extui %sign3A_186 : i1 to i32
    %sign3A_188 = arith.subi %sign3A_184, %sign3A_187 : i32
    %ne3A_189 = vector.broadcast %sign3A_188 : i32 to vector<16xi32>
    %ne3A_190 = arith.cmpi ne, %sign3A_181, %ne3A_189 : vector<16xi32>
    %rem3A_191 = vector.broadcast %jit3A_170 : i32 to vector<16xi32>
    %rem3A_192 = arith.remsi %add3A_138, %rem3A_191 : vector<16xi32>
    %ne3A_193 = arith.constant 0 : i32
    %ne3A_194 = vector.broadcast %ne3A_193 : i32 to vector<16xi32>
    %ne3A_195 = arith.cmpi ne, %rem3A_192, %ne3A_194 : vector<16xi32>
    %and3A_196 = arith.andi %ne3A_190, %ne3A_195 : vector<16xi1>
    %sub3A_197 = arith.constant 1 : i32
    %sub3A_198 = vector.broadcast %sub3A_197 : i32 to vector<16xi32>
    %sub3A_199 = arith.subi %div3A_172, %sub3A_198 : vector<16xi32>
    %select_n3A_200 = arith.select %and3A_196, %sub3A_199, %div3A_172 : vector<16xi1>, vector<16xi32>
    %mul3A_201 = arith.constant 3 : i32
    %mul3A_202 = vector.broadcast %mul3A_201 : i32 to vector<16xi32>
    %mul3A_203 = arith.muli %select_n3A_200, %mul3A_202 : vector<16xi32>
    %sub3A_204 = arith.subi %add3A_138, %mul3A_203 : vector<16xi32>
    %mul3A_205 = arith.constant 100000 : i32
    %mul3A_206 = arith.muli %add3A, %mul3A_205 : i32
    %add3A_207 = arith.constant 0 : i32
    %add3A_208 = arith.addi %mul3A_206, %add3A_207 : i32
    %add3A_209 = arith.constant 0 : i32
    %add3A_210 = arith.addi %add3A_209, %add3A_208 : i32
    "tpu.region"() ({
      %run_scoped3A = tpu.sem_alloc : memref<!tpu.dma_semaphore, #tpu.memory_space<semaphore_mem>>
      %dma_start3A_233 = tpu.memref_slice %arg3[%add3A_210] : memref<6400000xi32, #tpu.memory_space<hbm>> -> memref<2000xi32, #tpu.memory_space<hbm>>
      %dma_start3A_234 = tpu.memref_slice %arg3[%add3A_210] : memref<6400000xi32, #tpu.memory_space<hbm>> -> memref<2000xi32, #tpu.memory_space<hbm>>
      tpu.enqueue_dma source(%dma_start3A_234 : memref<2000xi32, #tpu.memory_space<hbm>>) target(%arg7 : memref<2000xi32, #tpu.memory_space<vmem>>) target_semaphore(%run_scoped3A : memref<!tpu.dma_semaphore, #tpu.memory_space<semaphore_mem>>)
      %dma_wait3A = tpu.memref_slice %arg3[%add3A_210] : memref<6400000xi32, #tpu.memory_space<hbm>> -> memref<2000xi32, #tpu.memory_space<hbm>>
      %dma_wait3A_235 = tpu.memref_slice %arg3[%add3A_210] : memref<6400000xi32, #tpu.memory_space<hbm>> -> memref<2000xi32, #tpu.memory_space<hbm>>
      tpu.wait_dma2 semaphore(%run_scoped3A : memref<!tpu.dma_semaphore, #tpu.memory_space<semaphore_mem>>) src(%dma_wait3A_235 : memref<2000xi32, #tpu.memory_space<hbm>>) dst(%arg7 : memref<2000xi32, #tpu.memory_space<vmem>>)
      tpu.yield
    }) : () -> ()
    %dma_start3A = arith.constant 0 : i32
    %dma_start3A_211 = arith.constant 0 : i32
    %dma_start3A_212 = tpu.memref_slice %arg13[%dma_start3A, %dma_start3A_211] : memref<100000x8xf32, #tpu.memory_space<vmem_shared>> -> memref<100000x8xf32, #tpu.memory_space<vmem_shared>>
    tpu.enqueue_indirect_dma source(%dma_start3A_212 : memref<100000x8xf32, #tpu.memory_space<vmem_shared>>) target(%arg9 : memref<2000x8xf32, #tpu.memory_space<vmem>>) offsets(%arg7 : memref<2000xi32, #tpu.memory_space<vmem>>) semaphore(%arg14 : memref<!tpu.dma_semaphore, #tpu.memory_space<semaphore_mem>>)
    %scan3A = arith.constant 0 : i32
    %scan3A_213 = arith.constant 0 : i32
    %scan3A_214 = arith.constant 25 : i32
    %scan3A_215 = arith.addi %scan3A_213, %scan3A_214 : i32
    %scan3A_216 = arith.constant 1 : i32
    scf.for %scan3A_233 = %scan3A_213 to %scan3A_215 step %scan3A_216  : i32 {
      %mul3A_234 = arith.constant 2 : i32
      %mul3A_235 = arith.muli %mul3A_234, %scan3A_233 : i32
      %add3A_236 = arith.constant 1 : i32
      %add3A_237 = arith.addi %mul3A_235, %add3A_236 : i32
      %mul3A_238 = arith.constant 100000 : i32
      %mul3A_239 = arith.muli %add3A, %mul3A_238 : i32
      %mul3A_240 = arith.constant 2000 : i32
      %mul3A_241 = arith.muli %add3A_237, %mul3A_240 : i32
      %add3A_242 = arith.addi %mul3A_239, %mul3A_241 : i32
      %add3A_243 = arith.constant 0 : i32
      %add3A_244 = arith.addi %add3A_243, %add3A_242 : i32
      "tpu.region"() ({
        %run_scoped3A = tpu.sem_alloc : memref<!tpu.dma_semaphore, #tpu.memory_space<semaphore_mem>>
        %dma_start3A_281 = tpu.memref_slice %arg3[%add3A_244] : memref<6400000xi32, #tpu.memory_space<hbm>> -> memref<2000xi32, #tpu.memory_space<hbm>>
        %dma_start3A_282 = tpu.memref_slice %arg3[%add3A_244] : memref<6400000xi32, #tpu.memory_space<hbm>> -> memref<2000xi32, #tpu.memory_space<hbm>>
        tpu.enqueue_dma source(%dma_start3A_282 : memref<2000xi32, #tpu.memory_space<hbm>>) target(%arg8 : memref<2000xi32, #tpu.memory_space<vmem>>) target_semaphore(%run_scoped3A : memref<!tpu.dma_semaphore, #tpu.memory_space<semaphore_mem>>)
        %dma_wait3A_283 = tpu.memref_slice %arg3[%add3A_244] : memref<6400000xi32, #tpu.memory_space<hbm>> -> memref<2000xi32, #tpu.memory_space<hbm>>
        %dma_wait3A_284 = tpu.memref_slice %arg3[%add3A_244] : memref<6400000xi32, #tpu.memory_space<hbm>> -> memref<2000xi32, #tpu.memory_space<hbm>>
        tpu.wait_dma2 semaphore(%run_scoped3A : memref<!tpu.dma_semaphore, #tpu.memory_space<semaphore_mem>>) src(%dma_wait3A_284 : memref<2000xi32, #tpu.memory_space<hbm>>) dst(%arg8 : memref<2000xi32, #tpu.memory_space<vmem>>)
        tpu.yield
      }) : () -> ()
      %dma_start3A_245 = arith.constant 0 : i32
      %dma_start3A_246 = arith.constant 0 : i32
      %dma_start3A_247 = tpu.memref_slice %arg13[%dma_start3A_245, %dma_start3A_246] : memref<100000x8xf32, #tpu.memory_space<vmem_shared>> -> memref<100000x8xf32, #tpu.memory_space<vmem_shared>>
      tpu.enqueue_indirect_dma source(%dma_start3A_247 : memref<100000x8xf32, #tpu.memory_space<vmem_shared>>) target(%arg10 : memref<2000x8xf32, #tpu.memory_space<vmem>>) offsets(%arg8 : memref<2000xi32, #tpu.memory_space<vmem>>) semaphore(%arg15 : memref<!tpu.dma_semaphore, #tpu.memory_space<semaphore_mem>>)
      %dma_wait3A = arith.constant 0 : i32
      %dma_wait3A_248 = arith.constant 0 : i32
      %dma_wait3A_249 = tpu.memref_slice %arg13[%dma_wait3A, %dma_wait3A_248] : memref<100000x8xf32, #tpu.memory_space<vmem_shared>> -> memref<100000x8xf32, #tpu.memory_space<vmem_shared>>
      tpu.wait_indirect_dma semaphore(%arg14 : memref<!tpu.dma_semaphore, #tpu.memory_space<semaphore_mem>>) src(%dma_wait3A_249 : memref<100000x8xf32, #tpu.memory_space<vmem_shared>>) dst(%arg9 : memref<2000x8xf32, #tpu.memory_space<vmem>>)
      %scan3A_250 = arith.constant 0 : i32
      %scan3A_251 = arith.constant 0 : i32
      %scan3A_252 = arith.constant 125 : i32
      %scan3A_253 = arith.addi %scan3A_251, %scan3A_252 : i32
      %scan3A_254 = arith.constant 1 : i32
      scf.for %scan3A_281 = %scan3A_251 to %scan3A_253 step %scan3A_254  : i32 {
        %mul3A_282 = arith.constant 16 : i32
        %mul3A_283 = arith.muli %scan3A_281, %mul3A_282 : i32
        %add3A_284 = vector.broadcast %mul3A_283 : i32 to vector<16xi32>
        %add3A_285 = arith.addi %add3A_284, %select_n3A : vector<16xi32>
        %gather3A = tpu.vector_load_idx %arg9[%add3A_285, %sub3A_66] : memref<2000x8xf32, #tpu.memory_space<vmem>>[vector<16xi32>, vector<16xi32>], vector<16xf32>,
        %mul3A_286 = arith.mulf %gather3A, %get3A_5 : vector<16xf32>
        tpu.vector_store_idx %arg11[%add3A_285, %sub3A_66], %mul3A_286 : memref<2000x3xf32, #tpu.memory_space<vmem>>[vector<16xi32>, vector<16xi32>], vector<16xf32>,
        %mul3A_287 = arith.constant 16 : i32
        %mul3A_288 = arith.muli %scan3A_281, %mul3A_287 : i32
        %add3A_289 = vector.broadcast %mul3A_288 : i32 to vector<16xi32>
        %add3A_290 = arith.addi %add3A_289, %select_n3A_100 : vector<16xi32>
        %gather3A_291 = tpu.vector_load_idx %arg9[%add3A_290, %sub3A_135] : memref<2000x8xf32, #tpu.memory_space<vmem>>[vector<16xi32>, vector<16xi32>], vector<16xf32>,
        %mul3A_292 = arith.mulf %gather3A_291, %get3A_5 : vector<16xf32>
        tpu.vector_store_idx %arg11[%add3A_290, %sub3A_135], %mul3A_292 : memref<2000x3xf32, #tpu.memory_space<vmem>>[vector<16xi32>, vector<16xi32>], vector<16xf32>,
        %mul3A_293 = arith.constant 16 : i32
        %mul3A_294 = arith.muli %scan3A_281, %mul3A_293 : i32
        %add3A_295 = vector.broadcast %mul3A_294 : i32 to vector<16xi32>
        %add3A_296 = arith.addi %add3A_295, %select_n3A_169 : vector<16xi32>
        %gather3A_297 = tpu.vector_load_idx %arg9[%add3A_296, %sub3A_204] : memref<2000x8xf32, #tpu.memory_space<vmem>>[vector<16xi32>, vector<16xi32>], vector<16xf32>,
        %mul3A_298 = arith.mulf %gather3A_297, %get3A_5 : vector<16xf32>
        tpu.vector_store_idx %arg11[%add3A_296, %sub3A_204], %mul3A_298 : memref<2000x3xf32, #tpu.memory_space<vmem>>[vector<16xi32>, vector<16xi32>], vector<16xf32>,
      }
      %scan3A_255 = arith.constant 125 : i32
      %mul3A_256 = arith.constant 100000 : i32
      %mul3A_257 = arith.muli %add3A, %mul3A_256 : i32
      %mul3A_258 = arith.constant 2000 : i32
      %mul3A_259 = arith.muli %mul3A_235, %mul3A_258 : i32
      %add3A_260 = arith.addi %mul3A_257, %mul3A_259 : i32
      "tpu.region"() ({
        %run_scoped3A = tpu.sem_alloc : memref<!tpu.dma_semaphore, #tpu.memory_space<semaphore_mem>>
        %dma_start3A_281 = arith.constant 0 : i32
        %dma_start3A_282 = tpu.memref_slice %arg5[%add3A_260, %dma_start3A_281] : memref<3200000x3xf32, #tpu.memory_space<hbm>> -> memref<2000x3xf32, #tpu.memory_space<hbm>>
        %dma_start3A_283 = arith.constant 0 : i32
        %dma_start3A_284 = tpu.memref_slice %arg5[%add3A_260, %dma_start3A_283] : memref<3200000x3xf32, #tpu.memory_space<hbm>> -> memref<2000x3xf32, #tpu.memory_space<hbm>>
        tpu.enqueue_dma source(%arg11 : memref<2000x3xf32, #tpu.memory_space<vmem>>) target(%dma_start3A_284 : memref<2000x3xf32, #tpu.memory_space<hbm>>) target_semaphore(%run_scoped3A : memref<!tpu.dma_semaphore, #tpu.memory_space<semaphore_mem>>)
        %dma_wait3A_285 = arith.constant 0 : i32
        %dma_wait3A_286 = tpu.memref_slice %arg5[%add3A_260, %dma_wait3A_285] : memref<3200000x3xf32, #tpu.memory_space<hbm>> -> memref<2000x3xf32, #tpu.memory_space<hbm>>
        %dma_wait3A_287 = arith.constant 0 : i32
        %dma_wait3A_288 = tpu.memref_slice %arg5[%add3A_260, %dma_wait3A_287] : memref<3200000x3xf32, #tpu.memory_space<hbm>> -> memref<2000x3xf32, #tpu.memory_space<hbm>>
        tpu.wait_dma2 semaphore(%run_scoped3A : memref<!tpu.dma_semaphore, #tpu.memory_space<semaphore_mem>>) src(%arg11 : memref<2000x3xf32, #tpu.memory_space<vmem>>) dst(%dma_wait3A_288 : memref<2000x3xf32, #tpu.memory_space<hbm>>)
        tpu.yield
      }) : () -> ()
      %add3A_261 = arith.constant 2 : i32
      %add3A_262 = arith.addi %mul3A_235, %add3A_261 : i32
      %lt3A = arith.constant 50 : i32
      %lt3A_263 = arith.cmpi slt, %add3A_262, %lt3A : i32
      %convert_element_type3A = arith.extui %lt3A_263 : i1 to i32
      %cond3A = arith.constant 0 : i32
      %cond3A_264 = arith.cmpi ne, %convert_element_type3A, %cond3A : i32
      scf.if %cond3A_264 {
        %add3A_281 = arith.constant 2 : i32
        %add3A_282 = arith.addi %mul3A_235, %add3A_281 : i32
        %mul3A_283 = arith.constant 100000 : i32
        %mul3A_284 = arith.muli %add3A, %mul3A_283 : i32
        %mul3A_285 = arith.constant 2000 : i32
        %mul3A_286 = arith.muli %add3A_282, %mul3A_285 : i32
        %add3A_287 = arith.addi %mul3A_284, %mul3A_286 : i32
        %add3A_288 = arith.constant 0 : i32
        %add3A_289 = arith.addi %add3A_288, %add3A_287 : i32
        "tpu.region"() ({
          %run_scoped3A = tpu.sem_alloc : memref<!tpu.dma_semaphore, #tpu.memory_space<semaphore_mem>>
          %dma_start3A_293 = tpu.memref_slice %arg3[%add3A_289] : memref<6400000xi32, #tpu.memory_space<hbm>> -> memref<2000xi32, #tpu.memory_space<hbm>>
          %dma_start3A_294 = tpu.memref_slice %arg3[%add3A_289] : memref<6400000xi32, #tpu.memory_space<hbm>> -> memref<2000xi32, #tpu.memory_space<hbm>>
          tpu.enqueue_dma source(%dma_start3A_294 : memref<2000xi32, #tpu.memory_space<hbm>>) target(%arg7 : memref<2000xi32, #tpu.memory_space<vmem>>) target_semaphore(%run_scoped3A : memref<!tpu.dma_semaphore, #tpu.memory_space<semaphore_mem>>)
          %dma_wait3A_295 = tpu.memref_slice %arg3[%add3A_289] : memref<6400000xi32, #tpu.memory_space<hbm>> -> memref<2000xi32, #tpu.memory_space<hbm>>
          %dma_wait3A_296 = tpu.memref_slice %arg3[%add3A_289] : memref<6400000xi32, #tpu.memory_space<hbm>> -> memref<2000xi32, #tpu.memory_space<hbm>>
          tpu.wait_dma2 semaphore(%run_scoped3A : memref<!tpu.dma_semaphore, #tpu.memory_space<semaphore_mem>>) src(%dma_wait3A_296 : memref<2000xi32, #tpu.memory_space<hbm>>) dst(%arg7 : memref<2000xi32, #tpu.memory_space<vmem>>)
          tpu.yield
        }) : () -> ()
        %dma_start3A_290 = arith.constant 0 : i32
        %dma_start3A_291 = arith.constant 0 : i32
        %dma_start3A_292 = tpu.memref_slice %arg13[%dma_start3A_290, %dma_start3A_291] : memref<100000x8xf32, #tpu.memory_space<vmem_shared>> -> memref<100000x8xf32, #tpu.memory_space<vmem_shared>>
        tpu.enqueue_indirect_dma source(%dma_start3A_292 : memref<100000x8xf32, #tpu.memory_space<vmem_shared>>) target(%arg9 : memref<2000x8xf32, #tpu.memory_space<vmem>>) offsets(%arg7 : memref<2000xi32, #tpu.memory_space<vmem>>) semaphore(%arg14 : memref<!tpu.dma_semaphore, #tpu.memory_space<semaphore_mem>>)
      } else {
      }
      %dma_wait3A_265 = arith.constant 0 : i32
      %dma_wait3A_266 = arith.constant 0 : i32
      %dma_wait3A_267 = tpu.memref_slice %arg13[%dma_wait3A_265, %dma_wait3A_266] : memref<100000x8xf32, #tpu.memory_space<vmem_shared>> -> memref<100000x8xf32, #tpu.memory_space<vmem_shared>>
      tpu.wait_indirect_dma semaphore(%arg15 : memref<!tpu.dma_semaphore, #tpu.memory_space<semaphore_mem>>) src(%dma_wait3A_267 : memref<100000x8xf32, #tpu.memory_space<vmem_shared>>) dst(%arg10 : memref<2000x8xf32, #tpu.memory_space<vmem>>)
      %scan3A_268 = arith.constant 0 : i32
      %scan3A_269 = arith.constant 0 : i32
      %scan3A_270 = arith.constant 125 : i32
      %scan3A_271 = arith.addi %scan3A_269, %scan3A_270 : i32
      %scan3A_272 = arith.constant 1 : i32
      scf.for %scan3A_281 = %scan3A_269 to %scan3A_271 step %scan3A_272  : i32 {
        %mul3A_282 = arith.constant 16 : i32
        %mul3A_283 = arith.muli %scan3A_281, %mul3A_282 : i32
        %add3A_284 = vector.broadcast %mul3A_283 : i32 to vector<16xi32>
        %add3A_285 = arith.addi %add3A_284, %select_n3A : vector<16xi32>
        %gather3A = tpu.vector_load_idx %arg10[%add3A_285, %sub3A_66] : memref<2000x8xf32, #tpu.memory_space<vmem>>[vector<16xi32>, vector<16xi32>], vector<16xf32>,
        %mul3A_286 = arith.mulf %gather3A, %get3A_5 : vector<16xf32>
        tpu.vector_store_idx %arg11[%add3A_285, %sub3A_66], %mul3A_286 : memref<2000x3xf32, #tpu.memory_space<vmem>>[vector<16xi32>, vector<16xi32>], vector<16xf32>,
        %mul3A_287 = arith.constant 16 : i32
        %mul3A_288 = arith.muli %scan3A_281, %mul3A_287 : i32
        %add3A_289 = vector.broadcast %mul3A_288 : i32 to vector<16xi32>
        %add3A_290 = arith.addi %add3A_289, %select_n3A_100 : vector<16xi32>
        %gather3A_291 = tpu.vector_load_idx %arg10[%add3A_290, %sub3A_135] : memref<2000x8xf32, #tpu.memory_space<vmem>>[vector<16xi32>, vector<16xi32>], vector<16xf32>,
        %mul3A_292 = arith.mulf %gather3A_291, %get3A_5 : vector<16xf32>
        tpu.vector_store_idx %arg11[%add3A_290, %sub3A_135], %mul3A_292 : memref<2000x3xf32, #tpu.memory_space<vmem>>[vector<16xi32>, vector<16xi32>], vector<16xf32>,
        %mul3A_293 = arith.constant 16 : i32
        %mul3A_294 = arith.muli %scan3A_281, %mul3A_293 : i32
        %add3A_295 = vector.broadcast %mul3A_294 : i32 to vector<16xi32>
        %add3A_296 = arith.addi %add3A_295, %select_n3A_169 : vector<16xi32>
        %gather3A_297 = tpu.vector_load_idx %arg10[%add3A_296, %sub3A_204] : memref<2000x8xf32, #tpu.memory_space<vmem>>[vector<16xi32>, vector<16xi32>], vector<16xf32>,
        %mul3A_298 = arith.mulf %gather3A_297, %get3A_5 : vector<16xf32>
        tpu.vector_store_idx %arg11[%add3A_296, %sub3A_204], %mul3A_298 : memref<2000x3xf32, #tpu.memory_space<vmem>>[vector<16xi32>, vector<16xi32>], vector<16xf32>,
      }
      %scan3A_273 = arith.constant 125 : i32
      %mul3A_274 = arith.constant 100000 : i32
      %mul3A_275 = arith.muli %add3A, %mul3A_274 : i32
      %add3A_276 = arith.constant 1 : i32
      %add3A_277 = arith.addi %mul3A_235, %add3A_276 : i32
      %mul3A_278 = arith.constant 2000 : i32
      %mul3A_279 = arith.muli %add3A_277, %mul3A_278 : i32
      %add3A_280 = arith.addi %mul3A_275, %mul3A_279 : i32
      "tpu.region"() ({
        %run_scoped3A = tpu.sem_alloc : memref<!tpu.dma_semaphore, #tpu.memory_space<semaphore_mem>>
        %dma_start3A_281 = arith.constant 0 : i32
        %dma_start3A_282 = tpu.memref_slice %arg5[%add3A_280, %dma_start3A_281] : memref<3200000x3xf32, #tpu.memory_space<hbm>> -> memref<2000x3xf32, #tpu.memory_space<hbm>>
        %dma_start3A_283 = arith.constant 0 : i32
        %dma_start3A_284 = tpu.memref_slice %arg5[%add3A_280, %dma_start3A_283] : memref<3200000x3xf32, #tpu.memory_space<hbm>> -> memref<2000x3xf32, #tpu.memory_space<hbm>>
        tpu.enqueue_dma source(%arg11 : memref<2000x3xf32, #tpu.memory_space<vmem>>) target(%dma_start3A_284 : memref<2000x3xf32, #tpu.memory_space<hbm>>) target_semaphore(%run_scoped3A : memref<!tpu.dma_semaphore, #tpu.memory_space<semaphore_mem>>)
        %dma_wait3A_285 = arith.constant 0 : i32
        %dma_wait3A_286 = tpu.memref_slice %arg5[%add3A_280, %dma_wait3A_285] : memref<3200000x3xf32, #tpu.memory_space<hbm>> -> memref<2000x3xf32, #tpu.memory_space<hbm>>
        %dma_wait3A_287 = arith.constant 0 : i32
        %dma_wait3A_288 = tpu.memref_slice %arg5[%add3A_280, %dma_wait3A_287] : memref<3200000x3xf32, #tpu.memory_space<hbm>> -> memref<2000x3xf32, #tpu.memory_space<hbm>>
        tpu.wait_dma2 semaphore(%run_scoped3A : memref<!tpu.dma_semaphore, #tpu.memory_space<semaphore_mem>>) src(%arg11 : memref<2000x3xf32, #tpu.memory_space<vmem>>) dst(%dma_wait3A_288 : memref<2000x3xf32, #tpu.memory_space<hbm>>)
        tpu.yield
      }) : () -> ()
    }
    %scan3A_217 = arith.constant 25 : i32
    %mul3A_218 = arith.constant 100000 : i32
    %mul3A_219 = arith.muli %add3A, %mul3A_218 : i32
    %add3A_220 = arith.constant 0 : i32
    %add3A_221 = arith.addi %mul3A_219, %add3A_220 : i32
    %add3A_222 = arith.constant 3200000 : i32
    %add3A_223 = arith.addi %add3A_222, %add3A_221 : i32
    "tpu.region"() ({
      %run_scoped3A = tpu.sem_alloc : memref<!tpu.dma_semaphore, #tpu.memory_space<semaphore_mem>>
      %dma_start3A_233 = tpu.memref_slice %arg3[%add3A_223] : memref<6400000xi32, #tpu.memory_space<hbm>> -> memref<2000xi32, #tpu.memory_space<hbm>>
      %dma_start3A_234 = tpu.memref_slice %arg3[%add3A_223] : memref<6400000xi32, #tpu.memory_space<hbm>> -> memref<2000xi32, #tpu.memory_space<hbm>>
      tpu.enqueue_dma source(%dma_start3A_234 : memref<2000xi32, #tpu.memory_space<hbm>>) target(%arg7 : memref<2000xi32, #tpu.memory_space<vmem>>) target_semaphore(%run_scoped3A : memref<!tpu.dma_semaphore, #tpu.memory_space<semaphore_mem>>)
      %dma_wait3A = tpu.memref_slice %arg3[%add3A_223] : memref<6400000xi32, #tpu.memory_space<hbm>> -> memref<2000xi32, #tpu.memory_space<hbm>>
      %dma_wait3A_235 = tpu.memref_slice %arg3[%add3A_223] : memref<6400000xi32, #tpu.memory_space<hbm>> -> memref<2000xi32, #tpu.memory_space<hbm>>
      tpu.wait_dma2 semaphore(%run_scoped3A : memref<!tpu.dma_semaphore, #tpu.memory_space<semaphore_mem>>) src(%dma_wait3A_235 : memref<2000xi32, #tpu.memory_space<hbm>>) dst(%arg7 : memref<2000xi32, #tpu.memory_space<vmem>>)
      tpu.yield
    }) : () -> ()
    %dma_start3A_224 = arith.constant 0 : i32
    %dma_start3A_225 = arith.constant 0 : i32
    %dma_start3A_226 = tpu.memref_slice %arg13[%dma_start3A_224, %dma_start3A_225] : memref<100000x8xf32, #tpu.memory_space<vmem_shared>> -> memref<100000x8xf32, #tpu.memory_space<vmem_shared>>
    tpu.enqueue_indirect_dma source(%dma_start3A_226 : memref<100000x8xf32, #tpu.memory_space<vmem_shared>>) target(%arg9 : memref<2000x8xf32, #tpu.memory_space<vmem>>) offsets(%arg7 : memref<2000xi32, #tpu.memory_space<vmem>>) semaphore(%arg14 : memref<!tpu.dma_semaphore, #tpu.memory_space<semaphore_mem>>)
    %scan3A_227 = arith.constant 0 : i32
    %scan3A_228 = arith.constant 0 : i32
    %scan3A_229 = arith.constant 25 : i32
    %scan3A_230 = arith.addi %scan3A_228, %scan3A_229 : i32
    %scan3A_231 = arith.constant 1 : i32
    scf.for %scan3A_233 = %scan3A_228 to %scan3A_230 step %scan3A_231  : i32 {
      %mul3A_234 = arith.constant 2 : i32
      %mul3A_235 = arith.muli %mul3A_234, %scan3A_233 : i32
      %add3A_236 = arith.constant 1 : i32
      %add3A_237 = arith.addi %mul3A_235, %add3A_236 : i32
      %mul3A_238 = arith.constant 100000 : i32
      %mul3A_239 = arith.muli %add3A, %mul3A_238 : i32
      %mul3A_240 = arith.constant 2000 : i32
      %mul3A_241 = arith.muli %add3A_237, %mul3A_240 : i32
      %add3A_242 = arith.addi %mul3A_239, %mul3A_241 : i32
      %add3A_243 = arith.constant 3200000 : i32
      %add3A_244 = arith.addi %add3A_243, %add3A_242 : i32
      "tpu.region"() ({
        %run_scoped3A = tpu.sem_alloc : memref<!tpu.dma_semaphore, #tpu.memory_space<semaphore_mem>>
        %dma_start3A_281 = tpu.memref_slice %arg3[%add3A_244] : memref<6400000xi32, #tpu.memory_space<hbm>> -> memref<2000xi32, #tpu.memory_space<hbm>>
        %dma_start3A_282 = tpu.memref_slice %arg3[%add3A_244] : memref<6400000xi32, #tpu.memory_space<hbm>> -> memref<2000xi32, #tpu.memory_space<hbm>>
        tpu.enqueue_dma source(%dma_start3A_282 : memref<2000xi32, #tpu.memory_space<hbm>>) target(%arg8 : memref<2000xi32, #tpu.memory_space<vmem>>) target_semaphore(%run_scoped3A : memref<!tpu.dma_semaphore, #tpu.memory_space<semaphore_mem>>)
        %dma_wait3A_283 = tpu.memref_slice %arg3[%add3A_244] : memref<6400000xi32, #tpu.memory_space<hbm>> -> memref<2000xi32, #tpu.memory_space<hbm>>
        %dma_wait3A_284 = tpu.memref_slice %arg3[%add3A_244] : memref<6400000xi32, #tpu.memory_space<hbm>> -> memref<2000xi32, #tpu.memory_space<hbm>>
        tpu.wait_dma2 semaphore(%run_scoped3A : memref<!tpu.dma_semaphore, #tpu.memory_space<semaphore_mem>>) src(%dma_wait3A_284 : memref<2000xi32, #tpu.memory_space<hbm>>) dst(%arg8 : memref<2000xi32, #tpu.memory_space<vmem>>)
        tpu.yield
      }) : () -> ()
      %dma_start3A_245 = arith.constant 0 : i32
      %dma_start3A_246 = arith.constant 0 : i32
      %dma_start3A_247 = tpu.memref_slice %arg13[%dma_start3A_245, %dma_start3A_246] : memref<100000x8xf32, #tpu.memory_space<vmem_shared>> -> memref<100000x8xf32, #tpu.memory_space<vmem_shared>>
      tpu.enqueue_indirect_dma source(%dma_start3A_247 : memref<100000x8xf32, #tpu.memory_space<vmem_shared>>) target(%arg10 : memref<2000x8xf32, #tpu.memory_space<vmem>>) offsets(%arg8 : memref<2000xi32, #tpu.memory_space<vmem>>) semaphore(%arg15 : memref<!tpu.dma_semaphore, #tpu.memory_space<semaphore_mem>>)
      %dma_wait3A = arith.constant 0 : i32
      %dma_wait3A_248 = arith.constant 0 : i32
      %dma_wait3A_249 = tpu.memref_slice %arg13[%dma_wait3A, %dma_wait3A_248] : memref<100000x8xf32, #tpu.memory_space<vmem_shared>> -> memref<100000x8xf32, #tpu.memory_space<vmem_shared>>
      tpu.wait_indirect_dma semaphore(%arg14 : memref<!tpu.dma_semaphore, #tpu.memory_space<semaphore_mem>>) src(%dma_wait3A_249 : memref<100000x8xf32, #tpu.memory_space<vmem_shared>>) dst(%arg9 : memref<2000x8xf32, #tpu.memory_space<vmem>>)
      %scan3A_250 = arith.constant 0 : i32
      %scan3A_251 = arith.constant 0 : i32
      %scan3A_252 = arith.constant 125 : i32
      %scan3A_253 = arith.addi %scan3A_251, %scan3A_252 : i32
      %scan3A_254 = arith.constant 1 : i32
      scf.for %scan3A_281 = %scan3A_251 to %scan3A_253 step %scan3A_254  : i32 {
        %mul3A_282 = arith.constant 16 : i32
        %mul3A_283 = arith.muli %scan3A_281, %mul3A_282 : i32
        %add3A_284 = vector.broadcast %mul3A_283 : i32 to vector<16xi32>
        %add3A_285 = arith.addi %add3A_284, %select_n3A : vector<16xi32>
        %gather3A = tpu.vector_load_idx %arg9[%add3A_285, %sub3A_66] : memref<2000x8xf32, #tpu.memory_space<vmem>>[vector<16xi32>, vector<16xi32>], vector<16xf32>,
        %mul3A_286 = arith.mulf %gather3A, %get3A_5 : vector<16xf32>
        tpu.vector_store_idx %arg11[%add3A_285, %sub3A_66], %mul3A_286 : memref<2000x3xf32, #tpu.memory_space<vmem>>[vector<16xi32>, vector<16xi32>], vector<16xf32>,
        %mul3A_287 = arith.constant 16 : i32
        %mul3A_288 = arith.muli %scan3A_281, %mul3A_287 : i32
        %add3A_289 = vector.broadcast %mul3A_288 : i32 to vector<16xi32>
        %add3A_290 = arith.addi %add3A_289, %select_n3A_100 : vector<16xi32>
        %gather3A_291 = tpu.vector_load_idx %arg9[%add3A_290, %sub3A_135] : memref<2000x8xf32, #tpu.memory_space<vmem>>[vector<16xi32>, vector<16xi32>], vector<16xf32>,
        %mul3A_292 = arith.mulf %gather3A_291, %get3A_5 : vector<16xf32>
        tpu.vector_store_idx %arg11[%add3A_290, %sub3A_135], %mul3A_292 : memref<2000x3xf32, #tpu.memory_space<vmem>>[vector<16xi32>, vector<16xi32>], vector<16xf32>,
        %mul3A_293 = arith.constant 16 : i32
        %mul3A_294 = arith.muli %scan3A_281, %mul3A_293 : i32
        %add3A_295 = vector.broadcast %mul3A_294 : i32 to vector<16xi32>
        %add3A_296 = arith.addi %add3A_295, %select_n3A_169 : vector<16xi32>
        %gather3A_297 = tpu.vector_load_idx %arg9[%add3A_296, %sub3A_204] : memref<2000x8xf32, #tpu.memory_space<vmem>>[vector<16xi32>, vector<16xi32>], vector<16xf32>,
        %mul3A_298 = arith.mulf %gather3A_297, %get3A_5 : vector<16xf32>
        tpu.vector_store_idx %arg11[%add3A_296, %sub3A_204], %mul3A_298 : memref<2000x3xf32, #tpu.memory_space<vmem>>[vector<16xi32>, vector<16xi32>], vector<16xf32>,
      }
      %scan3A_255 = arith.constant 125 : i32
      %mul3A_256 = arith.constant 100000 : i32
      %mul3A_257 = arith.muli %add3A, %mul3A_256 : i32
      %mul3A_258 = arith.constant 2000 : i32
      %mul3A_259 = arith.muli %mul3A_235, %mul3A_258 : i32
      %add3A_260 = arith.addi %mul3A_257, %mul3A_259 : i32
      "tpu.region"() ({
        %run_scoped3A = tpu.sem_alloc : memref<!tpu.dma_semaphore, #tpu.memory_space<semaphore_mem>>
        %dma_start3A_281 = arith.constant 0 : i32
        %dma_start3A_282 = tpu.memref_slice %arg6[%add3A_260, %dma_start3A_281] : memref<3200000x3xf32, #tpu.memory_space<hbm>> -> memref<2000x3xf32, #tpu.memory_space<hbm>>
        %dma_start3A_283 = arith.constant 0 : i32
        %dma_start3A_284 = tpu.memref_slice %arg6[%add3A_260, %dma_start3A_283] : memref<3200000x3xf32, #tpu.memory_space<hbm>> -> memref<2000x3xf32, #tpu.memory_space<hbm>>
        tpu.enqueue_dma source(%arg11 : memref<2000x3xf32, #tpu.memory_space<vmem>>) target(%dma_start3A_284 : memref<2000x3xf32, #tpu.memory_space<hbm>>) target_semaphore(%run_scoped3A : memref<!tpu.dma_semaphore, #tpu.memory_space<semaphore_mem>>)
        %dma_wait3A_285 = arith.constant 0 : i32
        %dma_wait3A_286 = tpu.memref_slice %arg6[%add3A_260, %dma_wait3A_285] : memref<3200000x3xf32, #tpu.memory_space<hbm>> -> memref<2000x3xf32, #tpu.memory_space<hbm>>
        %dma_wait3A_287 = arith.constant 0 : i32
        %dma_wait3A_288 = tpu.memref_slice %arg6[%add3A_260, %dma_wait3A_287] : memref<3200000x3xf32, #tpu.memory_space<hbm>> -> memref<2000x3xf32, #tpu.memory_space<hbm>>
        tpu.wait_dma2 semaphore(%run_scoped3A : memref<!tpu.dma_semaphore, #tpu.memory_space<semaphore_mem>>) src(%arg11 : memref<2000x3xf32, #tpu.memory_space<vmem>>) dst(%dma_wait3A_288 : memref<2000x3xf32, #tpu.memory_space<hbm>>)
        tpu.yield
      }) : () -> ()
      %add3A_261 = arith.constant 2 : i32
      %add3A_262 = arith.addi %mul3A_235, %add3A_261 : i32
      %lt3A = arith.constant 50 : i32
      %lt3A_263 = arith.cmpi slt, %add3A_262, %lt3A : i32
      %convert_element_type3A = arith.extui %lt3A_263 : i1 to i32
      %cond3A = arith.constant 0 : i32
      %cond3A_264 = arith.cmpi ne, %convert_element_type3A, %cond3A : i32
      scf.if %cond3A_264 {
        %add3A_281 = arith.constant 2 : i32
        %add3A_282 = arith.addi %mul3A_235, %add3A_281 : i32
        %mul3A_283 = arith.constant 100000 : i32
        %mul3A_284 = arith.muli %add3A, %mul3A_283 : i32
        %mul3A_285 = arith.constant 2000 : i32
        %mul3A_286 = arith.muli %add3A_282, %mul3A_285 : i32
        %add3A_287 = arith.addi %mul3A_284, %mul3A_286 : i32
        %add3A_288 = arith.constant 3200000 : i32
        %add3A_289 = arith.addi %add3A_288, %add3A_287 : i32
        "tpu.region"() ({
          %run_scoped3A = tpu.sem_alloc : memref<!tpu.dma_semaphore, #tpu.memory_space<semaphore_mem>>
          %dma_start3A_293 = tpu.memref_slice %arg3[%add3A_289] : memref<6400000xi32, #tpu.memory_space<hbm>> -> memref<2000xi32, #tpu.memory_space<hbm>>
          %dma_start3A_294 = tpu.memref_slice %arg3[%add3A_289] : memref<6400000xi32, #tpu.memory_space<hbm>> -> memref<2000xi32, #tpu.memory_space<hbm>>
          tpu.enqueue_dma source(%dma_start3A_294 : memref<2000xi32, #tpu.memory_space<hbm>>) target(%arg7 : memref<2000xi32, #tpu.memory_space<vmem>>) target_semaphore(%run_scoped3A : memref<!tpu.dma_semaphore, #tpu.memory_space<semaphore_mem>>)
          %dma_wait3A_295 = tpu.memref_slice %arg3[%add3A_289] : memref<6400000xi32, #tpu.memory_space<hbm>> -> memref<2000xi32, #tpu.memory_space<hbm>>
          %dma_wait3A_296 = tpu.memref_slice %arg3[%add3A_289] : memref<6400000xi32, #tpu.memory_space<hbm>> -> memref<2000xi32, #tpu.memory_space<hbm>>
          tpu.wait_dma2 semaphore(%run_scoped3A : memref<!tpu.dma_semaphore, #tpu.memory_space<semaphore_mem>>) src(%dma_wait3A_296 : memref<2000xi32, #tpu.memory_space<hbm>>) dst(%arg7 : memref<2000xi32, #tpu.memory_space<vmem>>)
          tpu.yield
        }) : () -> ()
        %dma_start3A_290 = arith.constant 0 : i32
        %dma_start3A_291 = arith.constant 0 : i32
        %dma_start3A_292 = tpu.memref_slice %arg13[%dma_start3A_290, %dma_start3A_291] : memref<100000x8xf32, #tpu.memory_space<vmem_shared>> -> memref<100000x8xf32, #tpu.memory_space<vmem_shared>>
        tpu.enqueue_indirect_dma source(%dma_start3A_292 : memref<100000x8xf32, #tpu.memory_space<vmem_shared>>) target(%arg9 : memref<2000x8xf32, #tpu.memory_space<vmem>>) offsets(%arg7 : memref<2000xi32, #tpu.memory_space<vmem>>) semaphore(%arg14 : memref<!tpu.dma_semaphore, #tpu.memory_space<semaphore_mem>>)
      } else {
      }
      %dma_wait3A_265 = arith.constant 0 : i32
      %dma_wait3A_266 = arith.constant 0 : i32
      %dma_wait3A_267 = tpu.memref_slice %arg13[%dma_wait3A_265, %dma_wait3A_266] : memref<100000x8xf32, #tpu.memory_space<vmem_shared>> -> memref<100000x8xf32, #tpu.memory_space<vmem_shared>>
      tpu.wait_indirect_dma semaphore(%arg15 : memref<!tpu.dma_semaphore, #tpu.memory_space<semaphore_mem>>) src(%dma_wait3A_267 : memref<100000x8xf32, #tpu.memory_space<vmem_shared>>) dst(%arg10 : memref<2000x8xf32, #tpu.memory_space<vmem>>)
      %scan3A_268 = arith.constant 0 : i32
      %scan3A_269 = arith.constant 0 : i32
      %scan3A_270 = arith.constant 125 : i32
      %scan3A_271 = arith.addi %scan3A_269, %scan3A_270 : i32
      %scan3A_272 = arith.constant 1 : i32
      scf.for %scan3A_281 = %scan3A_269 to %scan3A_271 step %scan3A_272  : i32 {
        %mul3A_282 = arith.constant 16 : i32
        %mul3A_283 = arith.muli %scan3A_281, %mul3A_282 : i32
        %add3A_284 = vector.broadcast %mul3A_283 : i32 to vector<16xi32>
        %add3A_285 = arith.addi %add3A_284, %select_n3A : vector<16xi32>
        %gather3A = tpu.vector_load_idx %arg10[%add3A_285, %sub3A_66] : memref<2000x8xf32, #tpu.memory_space<vmem>>[vector<16xi32>, vector<16xi32>], vector<16xf32>,
        %mul3A_286 = arith.mulf %gather3A, %get3A_5 : vector<16xf32>
        tpu.vector_store_idx %arg11[%add3A_285, %sub3A_66], %mul3A_286 : memref<2000x3xf32, #tpu.memory_space<vmem>>[vector<16xi32>, vector<16xi32>], vector<16xf32>,
        %mul3A_287 = arith.constant 16 : i32
        %mul3A_288 = arith.muli %scan3A_281, %mul3A_287 : i32
        %add3A_289 = vector.broadcast %mul3A_288 : i32 to vector<16xi32>
        %add3A_290 = arith.addi %add3A_289, %select_n3A_100 : vector<16xi32>
        %gather3A_291 = tpu.vector_load_idx %arg10[%add3A_290, %sub3A_135] : memref<2000x8xf32, #tpu.memory_space<vmem>>[vector<16xi32>, vector<16xi32>], vector<16xf32>,
        %mul3A_292 = arith.mulf %gather3A_291, %get3A_5 : vector<16xf32>
        tpu.vector_store_idx %arg11[%add3A_290, %sub3A_135], %mul3A_292 : memref<2000x3xf32, #tpu.memory_space<vmem>>[vector<16xi32>, vector<16xi32>], vector<16xf32>,
        %mul3A_293 = arith.constant 16 : i32
        %mul3A_294 = arith.muli %scan3A_281, %mul3A_293 : i32
        %add3A_295 = vector.broadcast %mul3A_294 : i32 to vector<16xi32>
        %add3A_296 = arith.addi %add3A_295, %select_n3A_169 : vector<16xi32>
        %gather3A_297 = tpu.vector_load_idx %arg10[%add3A_296, %sub3A_204] : memref<2000x8xf32, #tpu.memory_space<vmem>>[vector<16xi32>, vector<16xi32>], vector<16xf32>,
        %mul3A_298 = arith.mulf %gather3A_297, %get3A_5 : vector<16xf32>
        tpu.vector_store_idx %arg11[%add3A_296, %sub3A_204], %mul3A_298 : memref<2000x3xf32, #tpu.memory_space<vmem>>[vector<16xi32>, vector<16xi32>], vector<16xf32>,
      }
      %scan3A_273 = arith.constant 125 : i32
      %mul3A_274 = arith.constant 100000 : i32
      %mul3A_275 = arith.muli %add3A, %mul3A_274 : i32
      %add3A_276 = arith.constant 1 : i32
      %add3A_277 = arith.addi %mul3A_235, %add3A_276 : i32
      %mul3A_278 = arith.constant 2000 : i32
      %mul3A_279 = arith.muli %add3A_277, %mul3A_278 : i32
      %add3A_280 = arith.addi %mul3A_275, %mul3A_279 : i32
      "tpu.region"() ({
        %run_scoped3A = tpu.sem_alloc : memref<!tpu.dma_semaphore, #tpu.memory_space<semaphore_mem>>
        %dma_start3A_281 = arith.constant 0 : i32
        %dma_start3A_282 = tpu.memref_slice %arg6[%add3A_280, %dma_start3A_281] : memref<3200000x3xf32, #tpu.memory_space<hbm>> -> memref<2000x3xf32, #tpu.memory_space<hbm>>
        %dma_start3A_283 = arith.constant 0 : i32
        %dma_start3A_284 = tpu.memref_slice %arg6[%add3A_280, %dma_start3A_283] : memref<3200000x3xf32, #tpu.memory_space<hbm>> -> memref<2000x3xf32, #tpu.memory_space<hbm>>
        tpu.enqueue_dma source(%arg11 : memref<2000x3xf32, #tpu.memory_space<vmem>>) target(%dma_start3A_284 : memref<2000x3xf32, #tpu.memory_space<hbm>>) target_semaphore(%run_scoped3A : memref<!tpu.dma_semaphore, #tpu.memory_space<semaphore_mem>>)
        %dma_wait3A_285 = arith.constant 0 : i32
        %dma_wait3A_286 = tpu.memref_slice %arg6[%add3A_280, %dma_wait3A_285] : memref<3200000x3xf32, #tpu.memory_space<hbm>> -> memref<2000x3xf32, #tpu.memory_space<hbm>>
        %dma_wait3A_287 = arith.constant 0 : i32
        %dma_wait3A_288 = tpu.memref_slice %arg6[%add3A_280, %dma_wait3A_287] : memref<3200000x3xf32, #tpu.memory_space<hbm>> -> memref<2000x3xf32, #tpu.memory_space<hbm>>
        tpu.wait_dma2 semaphore(%run_scoped3A : memref<!tpu.dma_semaphore, #tpu.memory_space<semaphore_mem>>) src(%arg11 : memref<2000x3xf32, #tpu.memory_space<vmem>>) dst(%dma_wait3A_288 : memref<2000x3xf32, #tpu.memory_space<hbm>>)
        tpu.yield
      }) : () -> ()
    }
    %scan3A_232 = arith.constant 25 : i32
    return
  }
}

</mosaic_0001>

<sc_bundles>
// kernel: kernel.3.cloned.1.call-start
scs
__scs_entry_jumppad:
0x0: {  	(pc) =	sbr.rel $0x88, $3  }
0x1: {  	(tag) =	ssettag $0x0;
	lr =	simm.s32 $0x1  }
0x2: {  	[smem:$0x3F9E] =	sst lr;
	_ =	strace $0xD0000000  }
0x3: {  	_ = 	snop  }
0x4: {  	_ = 	snop  }
0x5: {  	_ = 	snop  }
0x6: {  	_ = 	snop  }
0x7: {  	_ = 	snop  }
__scs_overlays_trampoline_lowered:
0x8: {  	[smem:$0x3FAD] =	sst s0  }
0x9: {  	[smem:$0x3FAE] =	sst s1  }
0xa: {  	[smem:$0x3FAF] =	sst s2  }
0xb: {  	[smem:$0x3FB0] =	sst s3  }
0xc: {  	[smem:$0x3FB1] =	sst s4  }
0xd: {  	[smem:$0x3FB2] =	sst s5  }
0xe: {  	[smem:$0x3FB3] =	sst s6  }
0xf: {  	[smem:$0x3FB4] =	sst s7  }
0x10: {  	[smem:$0x3FB5] =	sst s8  }
0x11: {  	[smem:$0x3FB6] =	sst s9;
	s0 =	simm.s32 @!p0 $0x0  }
0x12: {  	s1 =	sld [smem:$0x3F9C];
	s0 =	simm.s32 @p0 $0x1  }
0x13: {  	[smem:$0x3FB7] =	sst s0;
	s0 =	simm.s32 @!p1 $0x0  }
0x14: {  	s2 =	sld [smem:$0x3F9B];
	s0 =	simm.s32 @p1 $0x1  }
0x15: {  	[smem:$0x3FB8] =	sst s0;
	s0 =	simm.s32 @!p2 $0x0  }
0x16: {  	s3 =	sld [smem:$0x3FDB];
	s0 =	simm.s32 @p2 $0x1  }
0x17: {  	s4 =	simm.s32 $0x1BF5;
	[smem:$0x3FBA] =	sst s0  }
0x18: {  	s0 =	sld [smem:$0x3F9D];
	_ =	swait.ge [sflag:s4], $0x0  }
0x19: {  	s7 =	sld [smem:$0x3F9E]  }
0x1a: {  	s8 =	sadd.s32 $0xFFFFE003, lr  }
0x1b: {  	s9 =	sadd.s32 $0xFFFFFEF7, lr;
	s5 =	simm.s32 $0xFFFFFFFF;
	p2 =	slt.u32 s8, $0xFFFFF086  }
0x1c: {  	p1 =	slt.u32 s9, $0xF7A;
	s5 =	simm.s32 @!p2 $0x0  }
0x1d: {  	s5 =	simm.s32 @p1 $0x1;
	p0 =	seq.s32 s7, s2  }
0x1e: {  	s7 =	smul.u32 @!p0 $0xF7A, s2;
	p2 =	seq.s32 @!p0 s5, $0x0  }
0x1f: {  	s9 =	smul.u32 $0xF7A, s1;
	s8 =	simm.s32 @!p0 $0x1BF5;
	p2 =	por !p2, p0  }
0x20: {  	[sflag:s8] =	ssyncset.s32 @!p0 $0xFFFFF086;
	s6 =	sadd.s32 @!p0 s3, s7;
	s7 =	simm.s32 @!p0 $0x108  }
0x21: {  	s3 =	sadd.s32 s3, s9;
	s6 =	sadd.s32 @!p0 $0x88, s6;
	s7 =	simm.s32 @p2 $0x1082  }
0x22: {  	[simem:s7], [sflag:s8] =	dma.local @!p0 [hbm:s6], $0xF7A  }
0x23: {  	s9 =	sor.u32 $0xD0000000, s2;
	s6 =	simm.s32 $0x108;
	_ =	swait.ge @!p0 [sflag:s8], $0x0  }
0x24: {  	s3 =	sadd.s32 $0x88, s3;
	s6 =	simm.s32 @!p1 $0x1082;
	[sflag:s4] =	ssyncset.s32 $0xFFFFF086  }
0x25: {  	[simem:s6], [sflag:s4] =	dma.local [hbm:s3], $0xF7A  }
0x26: {  	[smem:$0x3F9E] =	sst s1;
	(tag) =	ssettag s2;
	_ =	strace s9  }
0x27: {  	s1 =	sld [smem:$0x3FAE]  }
0x28: {  	s2 =	sld [smem:$0x3FAF]  }
0x29: {  	s4 =	sld [smem:$0x3FB1]  }
0x2a: {  	p0 =	seq.s32 s5, $0x0;
	s5 =	sld [smem:$0x3FB2]  }
0x2b: {  	s6 =	sld [smem:$0x3FB3]  }
0x2c: {  	s7 =	sld [smem:$0x3FB4]  }
0x2d: {  	s3 =	simm.s32 $0x108;
	s8 =	sld [smem:$0x3FB5]  }
0x2e: {  	s3 =	simm.s32 @!p0 $0x1082;
	s9 =	sld [smem:$0x3FB6]  }
0x2f: {  	lr =	sadd.s32 s0, s3;
	s0 =	sld [smem:$0x3FAD]  }
0x30: {  	s3 =	sld [smem:$0x3FB0]  }
0x31: {  	[smem:$0x3FB9] =	sst s10  }
0x32: {  	s10 =	sld [smem:$0x3FB7];
	_ =	sdelay $0x3  }
0x33: {  	p0 =	seq.s32 s10, $0x1;
	s10 =	sld [smem:$0x3FB9];
	_ =	sdelay $0x3  }
0x34: {  	[smem:$0x3FB9] =	sst s10  }
0x35: {  	s10 =	sld [smem:$0x3FB8];
	_ =	sdelay $0x3  }
0x36: {  	p1 =	seq.s32 s10, $0x1;
	s10 =	sld [smem:$0x3FB9];
	_ =	sdelay $0x3  }
0x37: {  	[smem:$0x3FB9] =	sst s10  }
0x38: {  	s10 =	sld [smem:$0x3FBA]  }
0x39: {  	_ = 	snop;
	(pc) =	sbr.ind lr, $3  }
0x3a: {  	_ = 	snop  }
0x3b: {  	_ = 	snop  }
0x3c: {  	p2 =	seq.s32 s10, $0x1;
	s10 =	sld [smem:$0x3FB9]  }
0x3d: {  	_ =	shalt  }
0x3e: {  	_ =	shalt  }
0x3f: {  	_ =	shalt  }
0x40: {  	_ =	shalt  }
0x41: {  	_ =	shalt  }
0x42: {  	_ =	shalt  }
0x43: {  	_ =	shalt  }
0x44: {  	_ =	shalt  }
0x45: {  	_ =	shalt  }
0x46: {  	_ =	shalt  }
0x47: {  	_ =	shalt  }
0x48: {  	_ =	shalt  }
0x49: {  	_ =	shalt  }
0x4a: {  	_ =	shalt  }
0x4b: {  	_ =	shalt  }
0x4c: {  	_ =	shalt  }
0x4d: {  	_ =	shalt  }
0x4e: {  	_ =	shalt  }
0x4f: {  	_ =	shalt  }
0x50: {  	_ =	shalt  }
0x51: {  	_ =	shalt  }
0x52: {  	_ =	shalt  }
0x53: {  	_ =	shalt  }
0x54: {  	_ =	shalt  }
0x55: {  	_ =	shalt  }
0x56: {  	_ =	shalt  }
0x57: {  	_ =	shalt  }
0x58: {  	_ =	shalt  }
0x59: {  	_ =	shalt  }
0x5a: {  	_ =	shalt  }
0x5b: {  	_ =	shalt  }
0x5c: {  	_ =	shalt  }
0x5d: {  	_ =	shalt  }
0x5e: {  	_ =	shalt  }
0x5f: {  	_ =	shalt  }
0x60: {  	_ =	shalt  }
0x61: {  	_ =	shalt  }
0x62: {  	_ =	shalt  }
0x63: {  	_ =	shalt  }
0x64: {  	_ =	shalt  }
0x65: {  	_ =	shalt  }
0x66: {  	_ =	shalt  }
0x67: {  	_ =	shalt  }
0x68: {  	_ =	shalt  }
0x69: {  	_ =	shalt  }
0x6a: {  	_ =	shalt  }
0x6b: {  	_ =	shalt  }
0x6c: {  	_ =	shalt  }
0x6d: {  	_ =	shalt  }
0x6e: {  	_ =	shalt  }
0x6f: {  	_ =	shalt  }
0x70: {  	_ =	shalt  }
0x71: {  	_ =	shalt  }
0x72: {  	_ =	shalt  }
0x73: {  	_ =	shalt  }
0x74: {  	_ =	shalt  }
0x75: {  	_ =	shalt  }
0x76: {  	_ =	shalt  }
0x77: {  	_ =	shalt  }
0x78: {  	_ =	shalt  }
0x79: {  	_ =	shalt  }
0x7a: {  	_ =	shalt  }
0x7b: {  	_ =	shalt  }
0x7c: {  	_ =	shalt  }
0x7d: {  	_ =	shalt  }
0x7e: {  	_ =	shalt  }
0x7f: {  	_ =	shalt  }
0x80: {  	_ =	shalt  }
0x81: {  	_ =	shalt  }
0x82: {  	_ =	shalt  }
0x83: {  	_ =	shalt  }
0x84: {  	_ =	shalt  }
0x85: {  	_ =	shalt  }
0x86: {  	_ =	shalt  }
0x87: {  	_ =	shalt  }
.Lfunc_end0:
.L_simem_size_0:
called_computation.2_lowered:
.L_overlay_start_0:
0x88: {  	s2 =	sld [smem:$0x3FD9]  }
0x89: {  	s3 =	sld [smem:$0x3FFE];
	_ =	sdelay $0x1  }
0x8a: {  	s1 =	srdreg.scid  }
0x8b: {  	s0 =	sand.u32 $0x1, s1  }
0x8c: {  	s14 =	sshll.u32 s0, $0xA;
	s2 =	sadd.s32 s3, s2  }
0x8d: {  	s2 =	sadd.s32 s2, s14  }
0x8e: {  	[smem:$0x3FC5] =	sst s2  }
0x8f: {  	_ = 	snop  }
0x90: {  	s2 =	sld [smem:$0x3FD0];
	_ =	sdelay $0x2  }
0x91: {  	s15 =	simm.s32 $0xB;
	s4 =	simm.s32 $0x10  }
0x92: {  	[smem:s4], [sflag:s15] =	dma.local [hbm:s2], $0x1  }
0x93: {  	_ =	swait.eq [sflag:s15], $0x1  }
0x94: {  	[sflag:s15] =	ssyncset.done $0x0  }
0x95: {  	s16 =	sld [smem:$0x10];
	[sflag:s15] =	ssyncadd.s32 $0xFFFFFFFF  }
0x96: {  	s17 =	sld [smem:$0x11];
	(tm) =	ssettm $0x1  }
0x97: {  	s18 =	sld [smem:$0x3FFB];
	_ =	sdelay $0x3  }
0x98: {  	_ =	strace s18  }
0x99: {  	s4 =	sld [smem:$0x3FFC];
	_ =	sdelay $0x3  }
0x9a: {  	_ =	strace s4  }
0x9b: {  	s4 =	sld [smem:$0x3FFD];
	_ =	sdelay $0x3  }
0x9c: {  	_ =	strace s4  }
0x9d: {  	_ =	strace $0x8FFFFFFF  }
0x9e: {  	s19 =	sld [smem:$0x3FDB];
	_ =	sdelay $0x1  }
0x9f: {  	s5 =	simm.s32 $_scs_section_size  }
0xa0: {  	s6 =	simm.s32 $_size__tile_overlayer_lowered;
	s7 =	simm.s32 $_tile_overlayer_lowered  }
0xa1: {  	s22 =	simm.s32 $0x1BFF;
	s21 =	sshll.u32 s7, $0x1;
	s4 =	sadd.s32 s5, s19  }
0xa2: {  	s8 =	simm.s32 $0x0;
	s20 =	sshll.u32 s6, $0x1;
	s6 =	sadd.s32 s21, s4  }
0xa3: {  	[timem:s8], [sflag:s22] =	dma.local [hbm:s6], s20  }
0xa4: {  	_ =	swait.ge [sflag:s22], s20  }
0xa5: {  	s5 =	ssub.s32 $0x0, s20;
	[sflag:s22] =	ssyncset.done $0x0  }
0xa6: {  	[sflag:s22] =	ssyncadd.s32 s5;
	_ =	sdelay $0x1  }
0xa7: {  	s23 =	simm.s32 $0x1B8B  }
0xa8: {  	_ =	swait.ge [sflag:s23], $0x1  }
0xa9: {  	[sflag:s23] =	ssyncset.done $0x0  }
0xaa: {  	s25 =	simm.s32 $0x1B8E;
	s24 =	sld [smem:$0x3FFE];
	[sflag:s23] =	ssyncadd.s32 $0xFFFFFFFF  }
0xab: {  	s26 =	simm.s32 $execute0_lowered;
	[smem:$0x3FD2] =	sst s25  }
0xac: {  	s6 =	sshll.u32 s26, $0x1;
	_ =	strace $0x80000046;
	[dreg:$0x1] =	wrdreg $0xFFFFFFFF  }
0xad: {  	s28 =	simm.s32 $_size_execute0_lowered;
	s4 =	sadd.s32 s4, s6;
	[dreg:$0x0] =	wrdreg $0x0  }
0xae: {  	s6 =	sshll.u32 s28, $0x1;
	[dreg:$0x2] =	wrdreg s4  }
0xaf: {  	[dreg:$0x3] =	wrdreg s6  }
0xb0: {  	[dreg:$0x4] =	wrdreg $0xC0  }
0xb1: {  	_ =	task [dreg:s8], $0x5FFFF  }
0xb2: {  	[dreg:$0x1] =	wrdreg $0xFFFFFFFF  }
0xb3: {  	[dreg:$0x0] =	wrdreg $0x60  }
0xb4: {  	[dreg:$0x2] =	wrdreg s17  }
0xb5: {  	[dreg:$0x3] =	wrdreg s24  }
0xb6: {  	[dreg:$0x4] =	wrdreg s16  }
0xb7: {  	[dreg:$0x5] =	wrdreg $0xCB300  }
0xb8: {  	[dreg:$0x6] =	wrdreg $0x9  }
0xb9: {  	_ =	task.clear_ibuf [dreg:s8], $0x7FFFF;
	_ =	strace $0x90000046  }
0xba: {  	s29 =	simm.s32 $0x9;
	_ =	strace $0x80000048  }
0xbb: {  	_ =	swait.ge [sflag:s29], $0x1  }
0xbc: {  	[sflag:s29] =	ssyncadd.s32 $0xFFFFFFFF  }
0xbd: {  	_ =	strace $0x90000048  }
0xbe: {  	_ =	sfence  }
0xbf: {  	s30 =	sld [smem:$0x0];
	_ =	sdelay $0x2  }
0xc0: {  	s31 =	sshll.u32 s1, $0xD;
	s1 =	sshrl.u32 s1, $0x2  }
0xc1: {  	s3 =	sand.u32 $0x4000, s31;
	s1 =	sadd.s32 s1, s30  }
0xc2: {  	s0 =	sor.u32 s3, s0;
	s1 =	sshll.u32 s1, $0x11  }
0xc3: {  	s0 =	sor.u32 s1, s0  }
0xc4: {  	s0 =	sadd.s32 $0x8F2B, s0  }
0xc5: {  	[sflag:s0] =	ssyncadd.remote.s32 $0x1  }
0xc6: {  	_ =	sfence.sel $0xFFFF  }
0xc7: {  	[dreg:$0x0] =	wrdreg $0xFFFFFFFF;
	(pc) =	sbr.abs _section_cstart, $3  }
0xc8: {  	[dreg:$0x1] =	wrdreg $0xFFFFFFFF  }
0xc9: {  	_ =	task.clear_ibuf [dreg:s8], $0x2FFFF;
	_ =	strace $0x9FFFFFFF  }
0xca: {  	(tm) =	ssettm $0x7FFFFFFF  }
0xcb: {  	_ =	shalt  }
tec
execute0_lowered:
.L_overlay_start_1:
0x0: {  	(tag) =	ssettag $0x1  }
0x1: {  	v0 =	vimm.s32 $0x58585850  }
0x2: {  	v1 =	vimm.s32 $0x68606060;
	v0 =	vunpack.c.0.s8.s32 v0  }
0x3: {  	s0 =	rddreg [dreg:$0x0];
	vm1 =	vcmask $0xF00;
	vm0 =	vcmask $0x1F10;
	v1 =	vunpack.c.0.s8.s32 v1  }
0x4: {  	s4 =	rddreg [dreg:$0x1];
	v2 =	vimm.s32 $0x70706868;
	v3 =	vimm.s32 $0x38383830;
	v0 =	vnsel vm1, $0x78, v0  }
0x5: {  	s2 =	rddreg [dreg:$0x3];
	s3 =	simm.s32 $0x0;
	v5 =	vimm.s32 $0x10100808;
	v0 =	vsel vm0, v1, v0;
	v1 =	vimm.s32 $0x30302828  }
0x6: {  	s6 =	srdreg.scid;
	s1 =	stileid.u32;
	v6 =	vimm.s32 $0x18181810;
	v7 =	vimm.s32 $0x49249249;
	s19 =	simm.s32 $0x3;
	v1 =	vunpack.c.0.s8.s32 v1  }
0x7: {  	v4 =	vimm.s32 $0x8000000;
	v8 =	vimm.s32 $0x92492492;
	s20 =	simm.s32 $0xCB20;
	s21 =	simm.s32 $0x7D0;
	s22 =	simm.s32 $0xFA0;
	v3 =	vunpack.c.0.s8.s32 v3  }
0x8: {  	s23 =	simm.s32 $0x4E20;
	s24 =	simm.s32 $0x1;
	s25 =	simm.s32 $0x8CA0;
	v2 =	vunpack.c.0.s8.s32 v2;
	v4 =	vunpack.c.0.s8.s32 v4;
	v1 =	vnsel vm1, $0x50, v1  }
0x9: {  	s28 =	simm.s32 $0x0;
	[smem:$0x7FF] =	sst s3;
	s5 =	sadd.s32 $0x1400, s4;
	v1 =	vsel vm0, v3, v1;
	v3 =	vunpack.c.0.s8.s32 v5;
	v5 =	vimm.s32 $0x48404040  }
0xa: {  	s7 =	sand.u32 $0x1, s6;
	s6 =	sadd.s32 $0x3D1E00, s4;
	s9 =	sshll.u32 s1, $0x1;
	v8 =	vunpack.c.l.s2.s4 v8;
	v4 =	vnsel vm1, $0x28, v4;
	v5 =	vunpack.c.0.s8.s32 v5  }
0xb: {  	s11 =	smul.u32 $0xC350, s1;
	s30 =	sshll.u32 s1, $0x6;
	_ =	strace $0x80000047;
	v3 =	vsel vm0, v3, v4;
	v4 =	vunpack.c.0.s8.s32 v6;
	v6 =	vimm.s32 $0x24924924  }
0xc: {  	vm2 =	vcmask $0x2F20;
	v7 =	vunpack.c.l.s2.s4 v7;
	s8 =	ssub.s32 $0x2, s7;
	s9 =	sor.u32 s7, s9;
	s7 =	sadd.s32 $0xC4A00, s4;
	v6 =	vunpack.c.l.s2.s4 v6  }
0xd: {  	s10 =	sshrl.u32 s8, $0x1;
	s16 =	smul.u32 $0x186A0, s9;
	s18 =	sadd.s32 s11, s2;
	v0 =	vsel vm2, v2, v0;
	v1 =	vsel vm2, v5, v1;
	v5 =	vunpack.c.l.s4.s8 v8  }
0xe: {  	s29 =	sshrl.u32 s11, $0x3;
	s9 =	sor.u32 $0x1C03, s30;
	s26 =	ssub.s32 s8, s10;
	v2 =	vsel vm2, v4, v3;
	v4 =	vunpack.c.l.s4.s8 v7;
	v3 =	vunpack.c.l.s4.s8 v6  }
0xf: {  	vm13 =	vcmask $0x3330;
	vm14 =	vcmask $0x3730;
	vm15 =	vcmask $0x3B30;
	s8 =	sadd.s32 s0, s29;
	s18 =	sshrl.u32 s18, $0x3;
	s31 =	sshrl.u32 s16, $0x3  }
0x10: {  	s11 =	sadd.s32 $0x7D0, s16;
	s12 =	sadd.s32 s6, s16;
	s13 =	sadd.s32 $0xFA0, s16;
	v5 =	vunpack.c.0.s8.s32 v5;
	v4 =	vunpack.c.0.s8.s32 v4;
	v3 =	vunpack.c.0.s8.s32 v3  }
0x11: {  	s15 =	sadd.s32 s7, s16;
	s16 =	sadd.s32 $0x30E3A0, s16;
	s10 =	sadd.s32 s5, s31;
	v0 =	vsel vm13, $0x70, v0;
	v1 =	vsel vm14, $0x48, v1;
	v2 =	vsel vm15, $0x20, v2  }
0x12: {  	s17 =	smax.u32 s26, $0x1;
	s26 =	simm.s32 $0x2;
	s14 =	sadd.s32 $0x61A80, s10;
	v5 =	vand.u32 $0x3, v5;
	v4 =	vand.u32 $0x3, v4;
	v3 =	vand.u32 $0x3, v3  }
.LBB2_1:
0x13: {  	[spmem:s18], [sflag:s9] =	dma.local [hbm:s8], $0x186A  }
0x14: {  	_ =	swait.ge [sflag:s19], $0x186A  }
0x15: {  	[sflag:s19] =	ssyncset.done $0x0  }
0x16: {  	[sflag:s19] =	ssyncadd.s32 $0xFFFFE796  }
0x17: {  	s0 =	rddreg [dreg:$0x2]  }
0x18: {  	[tilespmem:s20], [sflag:$0x3] =	stream.linear.gather [hbm4b:s0+s3], $0x10, $0x38;
	[tilespmem:$0x18E80] =	vst v63  }
0x19: {  	_ =	swait.ge [sflag:s19], $0x10  }
0x1a: {  	[sflag:s19] =	ssyncset.done $0x0  }
0x1b: {  	[sflag:s19] =	ssyncadd.s32 $0xFFFFFFF0  }
0x1c: {  	[bflag:$0x0] =	sbarrier.arrive $0xFFFF  }
0x1d: {  	v6 =	vld [tilespmem:$0xCB20];
	[tilespmem:s3], [sflag:$0x3] =	stream.linear.gather [hbm4b:s10+s3], $0x7D0, $0x38  }
0x1e: {  	_ =	swait.ge [sflag:s19], $0x7D0  }
0x1f: {  	[sflag:s19] =	ssyncset.done $0x0  }
0x20: {  	s29 =	simm.s32 $0x0;
	[sflag:s19] =	ssyncadd.s32 $0xFFFFF830  }
0x21: {  	[tilespmem:s22], [sflag:$0x1] =	stream.indirect.gather [spmem:s2], $0x8, s3, s21, $0xb8;
	[tilespmem:$0x18E80] =	vst v63  }
.LBB2_2:
0x22: {  	s31 =	smul.u32 $0xFA0, s29;
	_ =	sdelay $0x1  }
0x23: {  	s30 =	sadd.s32 s31, s11  }
0x24: {  	s0 =	sshrl.u32 s30, $0x3  }
0x25: {  	s4 =	simm.s32 $0x0;
	s0 =	sadd.s32 s5, s0  }
0x26: {  	v7 =	vmov s4;
	[tilespmem:s21], [sflag:$0x3] =	stream.linear.gather [hbm4b:s0+s4], $0x7D0, $0x38;
	[tilespmem:$0x18E80] =	vst v63  }
0x27: {  	v7 =	vshll.u32 v7, $0x3;
	_ =	swait.ge [sflag:s19], $0x7D0  }
0x28: {  	v8 =	vor.u32 v2, v7;
	[sflag:s19] =	ssyncset.done $0x0  }
0x29: {  	v8 =	vor.u32 v3, v8;
	[sflag:s19] =	ssyncadd.s32 $0xFFFFF830  }
0x2a: {  	[tilespmem:s23], [sflag:$0x2] =	stream.indirect.gather [spmem:s2], $0x8, s21, s21, $0xb8;
	[tilespmem:$0x18E80] =	vst v63  }
0x2b: {  	_ =	swait.ge [sflag:s24], $0x3E80  }
0x2c: {  	[sflag:s24] =	ssyncset.done $0x0  }
0x2d: {  	[sflag:s24] =	ssyncadd.s32 $0xFFFFC180  }
0x2e: {  	v9 =	vld.idx.msk [tilespmem:v8+s22+$0x0], $0xffff;
	_ =	sdelay $0x1  }
0x2f: {  	v10 =	vor.u32 v1, v7  }
0x30: {  	v10 =	vor.u32 v4, v10;
	_ =	sdelay $0x1  }
0x31: {  	v9 =	vmul.f32 v9, v6;
	_ =	sdelay $0x1  }
0x32: {  	[tilespmem:v8+s25+$0x0] =	vst.idx.msk $0xffff, v9  }
0x33: {  	v9 =	vld.idx.msk [tilespmem:v10+s22+$0x0], $0xffff;
	_ =	sdelay $0x1  }
0x34: {  	v7 =	vor.u32 v0, v7  }
0x35: {  	v8 =	vor.u32 v5, v7;
	_ =	sdelay $0x1  }
0x36: {  	v7 =	vmul.f32 v9, v6;
	_ =	sdelay $0x1  }
0x37: {  	s4 =	simm.s32 $0x10;
	[tilespmem:v10+s25+$0x0] =	vst.idx.msk $0xffff, v7  }
0x38: {  	v7 =	vmov s4;
	v11 =	vld.idx.msk [tilespmem:v8+s22+$0x0], $0xffff  }
0x39: {  	v7 =	vshll.u32 v7, $0x3  }
0x3a: {  	v9 =	vor.u32 v2, v7  }
0x3b: {  	v9 =	vor.u32 v3, v9;
	_ =	sdelay $0x1  }
0x3c: {  	s0 =	simm.s32 $0x20;
	v10 =	vor.u32 v1, v7;
	v7 =	vor.u32 v0, v7;
	v11 =	vmul.f32 v11, v6  }
.LBB2_3:
0x3d: {  	_ = 	snop  }
0x3e: {  	p0 =	sne.s32 s0, $0x7C0;
	s4 =	smov.u32 s0;
	s0 =	sadd.s32 $0x10, s0;
	[tilespmem:v8+s25+$0x0] =	vst.idx.msk $0xffff, v11  }
0x3f: {  	v8 =	vld.idx.msk [tilespmem:v9+s22+$0x0], $0xffff;
	_ =	sdelay $0x3  }
0x40: {  	v10 =	vor.u32 v4, v10;
	_ =	sdelay $0x1  }
0x41: {  	v8 =	vmul.f32 v8, v6;
	_ =	sdelay $0x1  }
0x42: {  	[tilespmem:v9+s25+$0x0] =	vst.idx.msk $0xffff, v8  }
0x43: {  	v9 =	vld.idx.msk [tilespmem:v10+s22+$0x0], $0xffff;
	_ =	sdelay $0x3  }
0x44: {  	v8 =	vor.u32 v5, v7;
	_ =	sdelay $0x1  }
0x45: {  	v7 =	vmul.f32 v9, v6;
	_ =	sdelay $0x1  }
0x46: {  	[tilespmem:v10+s25+$0x0] =	vst.idx.msk $0xffff, v7  }
0x47: {  	v11 =	vld.idx.msk [tilespmem:v8+s22+$0x0], $0xffff  }
0x48: {  	v7 =	vmov s4  }
.Ltmp0:
0x49: {  	v7 =	vshll.u32 v7, $0x3;
	(pc) =	sbr.rel @p0 .LBB2_3-.Ltmp0, $3  }
0x4a: {  	v9 =	vor.u32 v2, v7;
	v10 =	vor.u32 v1, v7;
	v7 =	vor.u32 v0, v7  }
0x4b: {  	v9 =	vor.u32 v3, v9;
	_ =	sdelay $0x1  }
0x4c: {  	v11 =	vmul.f32 v11, v6  }
0x4d: {  	_ =	sdelay $0x3  }
0x4e: {  	[tilespmem:v8+s25+$0x0] =	vst.idx.msk $0xffff, v11  }
0x4f: {  	v8 =	vld.idx.msk [tilespmem:v9+s22+$0x0], $0xffff;
	_ =	sdelay $0x2  }
0x50: {  	v10 =	vor.u32 v4, v10;
	_ =	sdelay $0x1  }
0x51: {  	v8 =	vmul.f32 v8, v6;
	_ =	sdelay $0x1  }
0x52: {  	[tilespmem:v9+s25+$0x0] =	vst.idx.msk $0xffff, v8  }
0x53: {  	v8 =	vld.idx.msk [tilespmem:v10+s22+$0x0], $0xffff;
	_ =	sdelay $0x2  }
0x54: {  	v7 =	vor.u32 v5, v7;
	_ =	sdelay $0x1  }
0x55: {  	v8 =	vmul.f32 v8, v6;
	_ =	sdelay $0x1  }
0x56: {  	[tilespmem:v10+s25+$0x0] =	vst.idx.msk $0xffff, v8  }
0x57: {  	v8 =	vld.idx.msk [tilespmem:v7+s22+$0x0], $0xffff;
	_ =	sdelay $0x4  }
0x58: {  	v8 =	vmul.f32 v8, v6;
	_ =	sdelay $0x1  }
0x59: {  	s0 =	sadd.s32 s31, s12;
	p0 =	seq.s32 s29, $0x18;
	[tilespmem:v7+s25+$0x0] =	vst.idx.msk $0xffff, v8  }
0x5a: {  	[hbm4b:s0+s3] =	stream.linear.scatter [tilespmem:s25], [sflag:$0x3], $0x3E80, $0x38;
	[tilespmem:$0x18E80] =	vst v63  }
0x5b: {  	s1 =	simm.s32 $0x0;
	s0 =	sadd.s32 @!p0 s31, s13;
	_ =	swait.ge [sflag:s19], $0x3E80  }
0x5c: {  	s4 =	simm.s32 @!p0 $0x0;
	s0 =	sshrl.u32 @!p0 s0, $0x3;
	[sflag:s19] =	ssyncset.done $0x0  }
0x5d: {  	s31 =	simm.s32 @!p0 $0x3;
	s0 =	sadd.s32 @!p0 s5, s0;
	[sflag:s19] =	ssyncadd.s32 $0xFFFFC180  }
0x5e: {  	v7 =	vmov s1;
	[tilespmem:s4], [sflag:$0x3] =	stream.linear.gather @!p0 [hbm4b:s0+s4], $0x7D0, $0x38;
	[tilespmem:$0x18E80] =	vst v63  }
0x5f: {  	v7 =	vshll.u32 v7, $0x3;
	_ =	swait.ge @!p0 [sflag:s31], $0x7D0  }
0x60: {  	v8 =	vor.u32 v2, v7;
	[sflag:s31] =	ssyncset.done @!p0 $0x0  }
0x61: {  	v8 =	vor.u32 v3, v8;
	s0 =	simm.s32 @!p0 $0x7D0;
	[sflag:s31] =	ssyncadd.s32 @!p0 $0xFFFFF830;
	s31 =	simm.s32 @!p0 $0xFA0  }
0x62: {  	[tilespmem:s31], [sflag:$0x1] =	stream.indirect.gather @!p0 [spmem:s2], $0x8, s4, s0, $0xb8;
	[tilespmem:$0x18E80] =	vst v63  }
0x63: {  	_ =	swait.ge [sflag:s26], $0x3E80  }
0x64: {  	[sflag:s26] =	ssyncset.done $0x0  }
0x65: {  	[sflag:s26] =	ssyncadd.s32 $0xFFFFC180  }
0x66: {  	v9 =	vld.idx.msk [tilespmem:v8+s23+$0x0], $0xffff;
	_ =	sdelay $0x1  }
0x67: {  	v10 =	vor.u32 v1, v7  }
0x68: {  	v10 =	vor.u32 v4, v10;
	_ =	sdelay $0x1  }
0x69: {  	v9 =	vmul.f32 v9, v6;
	_ =	sdelay $0x1  }
0x6a: {  	[tilespmem:v8+s25+$0x0] =	vst.idx.msk $0xffff, v9  }
0x6b: {  	v9 =	vld.idx.msk [tilespmem:v10+s23+$0x0], $0xffff;
	_ =	sdelay $0x1  }
0x6c: {  	v7 =	vor.u32 v0, v7  }
0x6d: {  	v8 =	vor.u32 v5, v7;
	_ =	sdelay $0x1  }
0x6e: {  	v7 =	vmul.f32 v9, v6;
	_ =	sdelay $0x1  }
0x6f: {  	s31 =	simm.s32 $0x10;
	[tilespmem:v10+s25+$0x0] =	vst.idx.msk $0xffff, v7  }
0x70: {  	v7 =	vmov s31;
	v11 =	vld.idx.msk [tilespmem:v8+s23+$0x0], $0xffff  }
0x71: {  	v7 =	vshll.u32 v7, $0x3  }
0x72: {  	v9 =	vor.u32 v2, v7  }
0x73: {  	v9 =	vor.u32 v3, v9;
	_ =	sdelay $0x1  }
0x74: {  	s0 =	simm.s32 $0x20;
	v10 =	vor.u32 v1, v7;
	v7 =	vor.u32 v0, v7;
	v11 =	vmul.f32 v11, v6  }
.LBB2_5:
0x75: {  	_ = 	snop  }
0x76: {  	p0 =	sne.s32 s0, $0x7C0;
	s4 =	smov.u32 s0;
	s0 =	sadd.s32 $0x10, s0;
	[tilespmem:v8+s25+$0x0] =	vst.idx.msk $0xffff, v11  }
0x77: {  	v8 =	vld.idx.msk [tilespmem:v9+s23+$0x0], $0xffff;
	_ =	sdelay $0x3  }
0x78: {  	v10 =	vor.u32 v4, v10;
	_ =	sdelay $0x1  }
0x79: {  	v8 =	vmul.f32 v8, v6;
	_ =	sdelay $0x1  }
0x7a: {  	[tilespmem:v9+s25+$0x0] =	vst.idx.msk $0xffff, v8  }
0x7b: {  	v9 =	vld.idx.msk [tilespmem:v10+s23+$0x0], $0xffff;
	_ =	sdelay $0x3  }
0x7c: {  	v8 =	vor.u32 v5, v7;
	_ =	sdelay $0x1  }
0x7d: {  	v7 =	vmul.f32 v9, v6;
	_ =	sdelay $0x1  }
0x7e: {  	[tilespmem:v10+s25+$0x0] =	vst.idx.msk $0xffff, v7  }
0x7f: {  	v11 =	vld.idx.msk [tilespmem:v8+s23+$0x0], $0xffff  }
0x80: {  	v7 =	vmov s4  }
.Ltmp1:
0x81: {  	v7 =	vshll.u32 v7, $0x3;
	(pc) =	sbr.rel @p0 .LBB2_5-.Ltmp1, $3  }
0x82: {  	v9 =	vor.u32 v2, v7;
	v10 =	vor.u32 v1, v7;
	v7 =	vor.u32 v0, v7  }
0x83: {  	v9 =	vor.u32 v3, v9;
	_ =	sdelay $0x1  }
0x84: {  	v11 =	vmul.f32 v11, v6  }
0x85: {  	_ =	sdelay $0x3  }
0x86: {  	[tilespmem:v8+s25+$0x0] =	vst.idx.msk $0xffff, v11  }
0x87: {  	v8 =	vld.idx.msk [tilespmem:v9+s23+$0x0], $0xffff;
	_ =	sdelay $0x2  }
0x88: {  	v10 =	vor.u32 v4, v10;
	_ =	sdelay $0x1  }
0x89: {  	v8 =	vmul.f32 v8, v6;
	_ =	sdelay $0x1  }
0x8a: {  	[tilespmem:v9+s25+$0x0] =	vst.idx.msk $0xffff, v8  }
0x8b: {  	v8 =	vld.idx.msk [tilespmem:v10+s23+$0x0], $0xffff;
	_ =	sdelay $0x2  }
0x8c: {  	v7 =	vor.u32 v5, v7;
	_ =	sdelay $0x1  }
0x8d: {  	v8 =	vmul.f32 v8, v6;
	_ =	sdelay $0x1  }
0x8e: {  	[tilespmem:v10+s25+$0x0] =	vst.idx.msk $0xffff, v8  }
0x8f: {  	v8 =	vld.idx.msk [tilespmem:v7+s23+$0x0], $0xffff;
	_ =	sdelay $0x4  }
0x90: {  	s29 =	sadd.s32 $0x1, s29;
	v8 =	vmul.f32 v8, v6  }
0x91: {  	p0 =	sne.s32 s29, $0x19  }
.Ltmp2:
0x92: {  	s0 =	sadd.s32 s6, s30;
	[tilespmem:v7+s25+$0x0] =	vst.idx.msk $0xffff, v8;
	(pc) =	sbr.rel @p0 .LBB2_2-.Ltmp2, $4  }
0x93: {  	[hbm4b:s0+s3] =	stream.linear.scatter [tilespmem:s25], [sflag:$0x3], $0x3E80, $0x38;
	[tilespmem:$0x18E80] =	vst v63  }
0x94: {  	_ =	swait.ge [sflag:s19], $0x3E80  }
0x95: {  	[sflag:s19] =	ssyncset.done $0x0  }
0x96: {  	[sflag:s19] =	ssyncadd.s32 $0xFFFFC180  }
0x97: {  	s29 =	simm.s32 $0x0  }
0x98: {  	[tilespmem:s29], [sflag:$0x3] =	stream.linear.gather [hbm4b:s14+s29], $0x7D0, $0x38;
	[tilespmem:$0x18E80] =	vst v63  }
0x99: {  	_ =	swait.ge [sflag:s19], $0x7D0  }
0x9a: {  	[sflag:s19] =	ssyncset.done $0x0  }
0x9b: {  	s30 =	simm.s32 $0x0;
	[sflag:s19] =	ssyncadd.s32 $0xFFFFF830  }
0x9c: {  	[tilespmem:s22], [sflag:$0x1] =	stream.indirect.gather [spmem:s2], $0x8, s29, s21, $0xb8;
	[tilespmem:$0x18E80] =	vst v63  }
.LBB2_8:
0x9d: {  	s0 =	smul.u32 $0xFA0, s30;
	_ =	sdelay $0x1  }
0x9e: {  	s31 =	sadd.s32 s0, s11  }
0x9f: {  	s4 =	sshrl.u32 s31, $0x3  }
0xa0: {  	s4 =	sadd.s32 s5, s4  }
0xa1: {  	s4 =	sadd.s32 $0x61A80, s4  }
0xa2: {  	v7 =	vmov s29;
	[tilespmem:s21], [sflag:$0x3] =	stream.linear.gather [hbm4b:s4+s29], $0x7D0, $0x38;
	[tilespmem:$0x18E80] =	vst v63  }
0xa3: {  	v7 =	vshll.u32 v7, $0x3;
	_ =	swait.ge [sflag:s19], $0x7D0  }
0xa4: {  	v8 =	vor.u32 v2, v7;
	[sflag:s19] =	ssyncset.done $0x0  }
0xa5: {  	v8 =	vor.u32 v3, v8;
	[sflag:s19] =	ssyncadd.s32 $0xFFFFF830  }
0xa6: {  	[tilespmem:s23], [sflag:$0x2] =	stream.indirect.gather [spmem:s2], $0x8, s21, s21, $0xb8;
	[tilespmem:$0x18E80] =	vst v63  }
0xa7: {  	_ =	swait.ge [sflag:s24], $0x3E80  }
0xa8: {  	[sflag:s24] =	ssyncset.done $0x0  }
0xa9: {  	[sflag:s24] =	ssyncadd.s32 $0xFFFFC180  }
0xaa: {  	v9 =	vld.idx.msk [tilespmem:v8+s22+$0x0], $0xffff;
	_ =	sdelay $0x1  }
0xab: {  	v10 =	vor.u32 v1, v7  }
0xac: {  	v10 =	vor.u32 v4, v10;
	_ =	sdelay $0x1  }
0xad: {  	v9 =	vmul.f32 v9, v6;
	_ =	sdelay $0x1  }
0xae: {  	[tilespmem:v8+s25+$0x0] =	vst.idx.msk $0xffff, v9  }
0xaf: {  	v9 =	vld.idx.msk [tilespmem:v10+s22+$0x0], $0xffff;
	_ =	sdelay $0x1  }
0xb0: {  	v7 =	vor.u32 v0, v7  }
0xb1: {  	v8 =	vor.u32 v5, v7;
	_ =	sdelay $0x1  }
0xb2: {  	v7 =	vmul.f32 v9, v6;
	_ =	sdelay $0x1  }
0xb3: {  	s1 =	simm.s32 $0x10;
	[tilespmem:v10+s25+$0x0] =	vst.idx.msk $0xffff, v7  }
0xb4: {  	v7 =	vmov s1;
	v11 =	vld.idx.msk [tilespmem:v8+s22+$0x0], $0xffff  }
0xb5: {  	v7 =	vshll.u32 v7, $0x3  }
0xb6: {  	v9 =	vor.u32 v2, v7  }
0xb7: {  	v9 =	vor.u32 v3, v9;
	_ =	sdelay $0x1  }
0xb8: {  	s4 =	simm.s32 $0x20;
	v10 =	vor.u32 v1, v7;
	v7 =	vor.u32 v0, v7;
	v11 =	vmul.f32 v11, v6  }
.LBB2_9:
0xb9: {  	_ = 	snop  }
0xba: {  	p0 =	sne.s32 s4, $0x7C0;
	s1 =	smov.u32 s4;
	s4 =	sadd.s32 $0x10, s4;
	[tilespmem:v8+s25+$0x0] =	vst.idx.msk $0xffff, v11  }
0xbb: {  	v8 =	vld.idx.msk [tilespmem:v9+s22+$0x0], $0xffff;
	_ =	sdelay $0x3  }
0xbc: {  	v10 =	vor.u32 v4, v10;
	_ =	sdelay $0x1  }
0xbd: {  	v8 =	vmul.f32 v8, v6;
	_ =	sdelay $0x1  }
0xbe: {  	[tilespmem:v9+s25+$0x0] =	vst.idx.msk $0xffff, v8  }
0xbf: {  	v9 =	vld.idx.msk [tilespmem:v10+s22+$0x0], $0xffff;
	_ =	sdelay $0x3  }
0xc0: {  	v8 =	vor.u32 v5, v7;
	_ =	sdelay $0x1  }
0xc1: {  	v7 =	vmul.f32 v9, v6;
	_ =	sdelay $0x1  }
0xc2: {  	[tilespmem:v10+s25+$0x0] =	vst.idx.msk $0xffff, v7  }
0xc3: {  	v11 =	vld.idx.msk [tilespmem:v8+s22+$0x0], $0xffff  }
0xc4: {  	v7 =	vmov s1  }
.Ltmp3:
0xc5: {  	v7 =	vshll.u32 v7, $0x3;
	(pc) =	sbr.rel @p0 .LBB2_9-.Ltmp3, $3  }
0xc6: {  	v9 =	vor.u32 v2, v7;
	v10 =	vor.u32 v1, v7;
	v7 =	vor.u32 v0, v7  }
0xc7: {  	v9 =	vor.u32 v3, v9;
	_ =	sdelay $0x1  }
0xc8: {  	v11 =	vmul.f32 v11, v6  }
0xc9: {  	_ =	sdelay $0x3  }
0xca: {  	[tilespmem:v8+s25+$0x0] =	vst.idx.msk $0xffff, v11  }
0xcb: {  	v8 =	vld.idx.msk [tilespmem:v9+s22+$0x0], $0xffff;
	_ =	sdelay $0x2  }
0xcc: {  	v10 =	vor.u32 v4, v10;
	_ =	sdelay $0x1  }
0xcd: {  	v8 =	vmul.f32 v8, v6;
	_ =	sdelay $0x1  }
0xce: {  	[tilespmem:v9+s25+$0x0] =	vst.idx.msk $0xffff, v8  }
0xcf: {  	v8 =	vld.idx.msk [tilespmem:v10+s22+$0x0], $0xffff;
	_ =	sdelay $0x2  }
0xd0: {  	v7 =	vor.u32 v5, v7;
	_ =	sdelay $0x1  }
0xd1: {  	v8 =	vmul.f32 v8, v6;
	_ =	sdelay $0x1  }
0xd2: {  	[tilespmem:v10+s25+$0x0] =	vst.idx.msk $0xffff, v8  }
0xd3: {  	v8 =	vld.idx.msk [tilespmem:v7+s22+$0x0], $0xffff;
	_ =	sdelay $0x4  }
0xd4: {  	v8 =	vmul.f32 v8, v6;
	_ =	sdelay $0x1  }
0xd5: {  	s1 =	sadd.s32 s0, s15;
	p0 =	seq.s32 s30, $0x18;
	[tilespmem:v7+s25+$0x0] =	vst.idx.msk $0xffff, v8  }
0xd6: {  	[hbm4b:s1+s3] =	stream.linear.scatter [tilespmem:s25], [sflag:$0x3], $0x3E80, $0x38;
	[tilespmem:$0x18E80] =	vst v63  }
0xd7: {  	s0 =	sadd.s32 @!p0 s0, s16;
	_ =	swait.ge [sflag:s19], $0x3E80  }
0xd8: {  	s0 =	sshrl.u32 @!p0 s0, $0x3;
	[sflag:s19] =	ssyncset.done $0x0  }
0xd9: {  	s0 =	sadd.s32 @!p0 s5, s0;
	s1 =	simm.s32 @!p0 $0x0;
	[sflag:s19] =	ssyncadd.s32 $0xFFFFC180  }
0xda: {  	[tilespmem:s1], [sflag:$0x3] =	stream.linear.gather @!p0 [hbm4b:s0+s1], $0x7D0, $0x38;
	[tilespmem:$0x18E80] =	vst v63  }
0xdb: {  	s0 =	simm.s32 $0x0  }
0xdc: {  	s4 =	simm.s32 @!p0 $0x3;
	v7 =	vmov s0  }
0xdd: {  	_ =	swait.ge @!p0 [sflag:s4], $0x7D0;
	v7 =	vshll.u32 v7, $0x3  }
0xde: {  	[sflag:s4] =	ssyncset.done @!p0 $0x0;
	v8 =	vor.u32 v2, v7  }
0xdf: {  	s0 =	simm.s32 @!p0 $0x7D0;
	[sflag:s4] =	ssyncadd.s32 @!p0 $0xFFFFF830;
	s4 =	simm.s32 @!p0 $0xFA0;
	v8 =	vor.u32 v3, v8  }
0xe0: {  	[tilespmem:s4], [sflag:$0x1] =	stream.indirect.gather @!p0 [spmem:s2], $0x8, s1, s0, $0xb8;
	[tilespmem:$0x18E80] =	vst v63  }
0xe1: {  	_ =	swait.ge [sflag:s26], $0x3E80  }
0xe2: {  	[sflag:s26] =	ssyncset.done $0x0  }
0xe3: {  	[sflag:s26] =	ssyncadd.s32 $0xFFFFC180  }
0xe4: {  	v9 =	vld.idx.msk [tilespmem:v8+s23+$0x0], $0xffff;
	_ =	sdelay $0x1  }
0xe5: {  	v10 =	vor.u32 v1, v7  }
0xe6: {  	v10 =	vor.u32 v4, v10;
	_ =	sdelay $0x1  }
0xe7: {  	v9 =	vmul.f32 v9, v6;
	_ =	sdelay $0x1  }
0xe8: {  	[tilespmem:v8+s25+$0x0] =	vst.idx.msk $0xffff, v9  }
0xe9: {  	v9 =	vld.idx.msk [tilespmem:v10+s23+$0x0], $0xffff;
	_ =	sdelay $0x1  }
0xea: {  	v7 =	vor.u32 v0, v7  }
0xeb: {  	v8 =	vor.u32 v5, v7;
	_ =	sdelay $0x1  }
0xec: {  	v7 =	vmul.f32 v9, v6;
	_ =	sdelay $0x1  }
0xed: {  	s4 =	simm.s32 $0x10;
	[tilespmem:v10+s25+$0x0] =	vst.idx.msk $0xffff, v7  }
0xee: {  	v7 =	vmov s4;
	v11 =	vld.idx.msk [tilespmem:v8+s23+$0x0], $0xffff  }
0xef: {  	v7 =	vshll.u32 v7, $0x3  }
0xf0: {  	v9 =	vor.u32 v2, v7  }
0xf1: {  	v9 =	vor.u32 v3, v9;
	_ =	sdelay $0x1  }
0xf2: {  	s0 =	simm.s32 $0x20;
	v10 =	vor.u32 v1, v7;
	v7 =	vor.u32 v0, v7;
	v11 =	vmul.f32 v11, v6  }
.LBB2_11:
0xf3: {  	_ = 	snop  }
0xf4: {  	p0 =	sne.s32 s0, $0x7C0;
	s1 =	smov.u32 s0;
	s0 =	sadd.s32 $0x10, s0;
	[tilespmem:v8+s25+$0x0] =	vst.idx.msk $0xffff, v11  }
0xf5: {  	v8 =	vld.idx.msk [tilespmem:v9+s23+$0x0], $0xffff;
	_ =	sdelay $0x3  }
0xf6: {  	v10 =	vor.u32 v4, v10;
	_ =	sdelay $0x1  }
0xf7: {  	v8 =	vmul.f32 v8, v6;
	_ =	sdelay $0x1  }
0xf8: {  	[tilespmem:v9+s25+$0x0] =	vst.idx.msk $0xffff, v8  }
0xf9: {  	v9 =	vld.idx.msk [tilespmem:v10+s23+$0x0], $0xffff;
	_ =	sdelay $0x3  }
0xfa: {  	v8 =	vor.u32 v5, v7;
	_ =	sdelay $0x1  }
0xfb: {  	v7 =	vmul.f32 v9, v6;
	_ =	sdelay $0x1  }
0xfc: {  	[tilespmem:v10+s25+$0x0] =	vst.idx.msk $0xffff, v7  }
0xfd: {  	v11 =	vld.idx.msk [tilespmem:v8+s23+$0x0], $0xffff  }
0xfe: {  	v7 =	vmov s1  }
.Ltmp4:
0xff: {  	v7 =	vshll.u32 v7, $0x3;
	(pc) =	sbr.rel @p0 .LBB2_11-.Ltmp4, $3  }
0x100: {  	v9 =	vor.u32 v2, v7;
	v10 =	vor.u32 v1, v7;
	v7 =	vor.u32 v0, v7  }
0x101: {  	v9 =	vor.u32 v3, v9;
	_ =	sdelay $0x1  }
0x102: {  	v11 =	vmul.f32 v11, v6  }
0x103: {  	_ =	sdelay $0x3  }
0x104: {  	[tilespmem:v8+s25+$0x0] =	vst.idx.msk $0xffff, v11  }
0x105: {  	v8 =	vld.idx.msk [tilespmem:v9+s23+$0x0], $0xffff;
	_ =	sdelay $0x2  }
0x106: {  	v10 =	vor.u32 v4, v10;
	_ =	sdelay $0x1  }
0x107: {  	v8 =	vmul.f32 v8, v6;
	_ =	sdelay $0x1  }
0x108: {  	[tilespmem:v9+s25+$0x0] =	vst.idx.msk $0xffff, v8  }
0x109: {  	v8 =	vld.idx.msk [tilespmem:v10+s23+$0x0], $0xffff;
	_ =	sdelay $0x2  }
0x10a: {  	v7 =	vor.u32 v5, v7;
	_ =	sdelay $0x1  }
0x10b: {  	v8 =	vmul.f32 v8, v6;
	_ =	sdelay $0x1  }
0x10c: {  	[tilespmem:v10+s25+$0x0] =	vst.idx.msk $0xffff, v8  }
0x10d: {  	v8 =	vld.idx.msk [tilespmem:v7+s23+$0x0], $0xffff;
	_ =	sdelay $0x4  }
0x10e: {  	s30 =	sadd.s32 $0x1, s30;
	v8 =	vmul.f32 v8, v6  }
0x10f: {  	p0 =	sne.s32 s30, $0x19  }
.Ltmp5:
0x110: {  	s0 =	sadd.s32 s7, s31;
	[tilespmem:v7+s25+$0x0] =	vst.idx.msk $0xffff, v8;
	(pc) =	sbr.rel @p0 .LBB2_8-.Ltmp5, $4  }
0x111: {  	[hbm4b:s0+s3] =	stream.linear.scatter [tilespmem:s25], [sflag:$0x3], $0x3E80, $0x38;
	[tilespmem:$0x18E80] =	vst v63  }
0x112: {  	_ =	swait.ge [sflag:s19], $0x3E80  }
0x113: {  	[sflag:s19] =	ssyncset.done $0x0  }
0x114: {  	[sflag:s19] =	ssyncadd.s32 $0xFFFFC180  }
0x115: {  	s28 =	sadd.s32 $0x1, s28  }
0x116: {  	p0 =	sne.s32 s28, s17  }
.Ltmp6:
0x117: {  	_ = 	snop;
	(pc) =	sbr.rel @p0 .LBB2_1-.Ltmp6, $1  }
0x118: {  	_ =	sdelay $0x3  }
0x119: {  	_ =	sfence.sel $0x180000  }
0x11a: {  	[bflag:$0x0] =	sbarrier.arrive $0xFFFF  }
0x11b: {  	_ =	strace $0x90000047  }
0x11c: {  	s0 =	stileid.u32;
	[bflag:$0x2] =	sbarrier.arrive $0xFFFF  }
0x11d: {  	p0 =	sne.s32 s0, $0x0;
	s0 =	rddreg [dreg:$0x4]  }
0x11e: {  	s0 =	sadd.s32 @!p0 $0x100000, s0  }
0x11f: {  	[sflag:s0] =	ssyncadd.tile.s32 @!p0 $0x1;
	_ =	shalt  }
.Lfunc_end2:
_tile_overlayer_lowered:
.L_overlay_start_2:
0x120: {  	(tag) =	ssettag $0x2  }
0x121: {  	s0 =	rddreg [dreg:$0x0];
	s2 =	stileid.u32  }
0x122: {  	s1 =	rddreg [dreg:$0x1];
	p0 =	sne.s32 s2, $0x0  }
0x123: {  	s3 =	rddreg [dreg:$0x2];
	[bflag:$0x3] =	sbarrier.arrive $0xFFFF;
	s2 =	simm.s32 @!p0 $0x1C03  }
0x124: {  	[timem:s3], [sflag:s2] =	dma.local @!p0 [hbm:s0], s1  }
0x125: {  	s0 =	simm.s32 @!p0 $0x3  }
0x126: {  	_ =	swait.ge @!p0 [sflag:s0], s1  }
0x127: {  	s1 =	ssub.s32 @!p0 $0x0, s1;
	[sflag:s0] =	ssyncset.done @!p0 $0x0  }
0x128: {  	[sflag:s0] =	ssyncadd.s32 @!p0 s1  }
0x129: {  	[bflag:$0x3] =	sbarrier.arrive $0xFFFF  }
0x12a: {  	_ =	shalt  }

// kernel: sparse-core-data-format-call.1.cloned.1.call-start
scs
called_computation.1_lowered:
.L_overlay_start_0:
0x0: {  	s2 =	sld [smem:$0x3FD9]  }
0x1: {  	s3 =	sld [smem:$0x3FFE];
	_ =	sdelay $0x1  }
0x2: {  	s1 =	srdreg.scid  }
0x3: {  	s0 =	sand.u32 $0x1, s1  }
0x4: {  	s16 =	sshll.u32 s0, $0xA;
	s2 =	sadd.s32 s3, s2  }
0x5: {  	s2 =	sadd.s32 s2, s16  }
0x6: {  	[smem:$0x3FC5] =	sst s2  }
0x7: {  	_ = 	snop  }
0x8: {  	s2 =	sld [smem:$0x3FD0];
	_ =	sdelay $0x2  }
0x9: {  	s17 =	simm.s32 $0xB;
	s4 =	simm.s32 $0x10  }
0xa: {  	[smem:s4], [sflag:s17] =	dma.local [hbm:s2], $0x1  }
0xb: {  	_ =	swait.eq [sflag:s17], $0x1  }
0xc: {  	[sflag:s17] =	ssyncset.done $0x0  }
0xd: {  	[sflag:s17] =	ssyncadd.s32 $0xFFFFFFFF  }
0xe: {  	s18 =	sld [smem:$0x10];
	(tm) =	ssettm $0x1  }
0xf: {  	s19 =	sld [smem:$0x3FFB];
	_ =	sdelay $0x3  }
0x10: {  	_ =	strace s19  }
0x11: {  	s2 =	sld [smem:$0x3FFC];
	_ =	sdelay $0x3  }
0x12: {  	_ =	strace s2  }
0x13: {  	s2 =	sld [smem:$0x3FFD];
	_ =	sdelay $0x3  }
0x14: {  	_ =	strace s2  }
0x15: {  	_ =	strace $0x8FFFFFFF  }
0x16: {  	s20 =	sld [smem:$0x3FDB];
	_ =	sdelay $0x1  }
0x17: {  	s21 =	simm.s32 $_scs_section_size  }
0x18: {  	s5 =	simm.s32 $_size__tile_overlayer_lowered;
	s6 =	simm.s32 $_tile_overlayer_lowered  }
0x19: {  	s7 =	simm.s32 $0x1BFF;
	s22 =	sshll.u32 s6, $0x1;
	s4 =	sadd.s32 s21, s20  }
0x1a: {  	s23 =	simm.s32 $0x0;
	s5 =	sshll.u32 s5, $0x1;
	s6 =	sadd.s32 s22, s4  }
0x1b: {  	[timem:s23], [sflag:s7] =	dma.local [hbm:s6], s5  }
0x1c: {  	_ =	swait.ge [sflag:s7], s5  }
0x1d: {  	s5 =	ssub.s32 $0x0, s5;
	[sflag:s7] =	ssyncset.done $0x0  }
0x1e: {  	[sflag:s7] =	ssyncadd.s32 s5;
	_ =	sdelay $0x1  }
0x1f: {  	s24 =	simm.s32 $0x1B8B  }
0x20: {  	_ =	swait.ge [sflag:s24], $0x1  }
0x21: {  	[sflag:s24] =	ssyncset.done $0x0  }
0x22: {  	[sflag:s24] =	ssyncadd.s32 $0xFFFFFFFF  }
0x23: {  	s5 =	sld [smem:$0x0]  }
0x24: {  	s6 =	sand.u32 $0xFFFFFFFE, s1  }
0x25: {  	p0 =	sne.s32 s1, s6  }
0x26: {  	s6 =	sshll.u32 @p0 s6, $0xE  }
0x27: {  	s6 =	sadd.s32 @p0 $0x11B8D, s6;
	s7 =	sshll.u32 @p0 s5, $0x11  }
0x28: {  	s6 =	sor.u32 @p0 s7, s6  }
0x29: {  	[sflag:s6] =	ssyncadd.remote.s32 @p0 $0x1;
	_ =	sdelay $0x1  }
0x2a: {  	s6 =	simm.s32 @p0 $0x1B8D  }
0x2b: {  	_ =	swait.eq @p0 [sflag:s6], $0x1  }
0x2c: {  	[sflag:s6] =	ssyncadd.s32 @p0 $0xFFFFFFFF  }
0x2d: {  	s7 =	sshll.u32 @!p0 s1, $0xE  }
0x2e: {  	s7 =	sor.u32 @!p0 $0x4000, s7;
	s6 =	simm.s32 @!p0 $0x1B8D  }
0x2f: {  	s5 =	sshll.u32 @!p0 s5, $0x11;
	s7 =	sadd.s32 @!p0 $0x11B8D, s7;
	_ =	swait.eq @!p0 [sflag:s6], $0x1  }
0x30: {  	s5 =	sor.u32 @!p0 s5, s7;
	[sflag:s6] =	ssyncadd.s32 @!p0 $0xFFFFFFFF  }
0x31: {  	s26 =	simm.s32 $0x1B8E;
	s25 =	sld [smem:$0x3FFE];
	[sflag:s5] =	ssyncadd.remote.s32 @!p0 $0x1  }
0x32: {  	s27 =	simm.s32 $execute0_lowered;
	[smem:$0x3FD2] =	sst s26  }
0x33: {  	s6 =	sshll.u32 s27, $0x1;
	_ =	strace $0x8000004C;
	[dreg:$0x1] =	wrdreg $0xFFFFFFFF  }
0x34: {  	s28 =	simm.s32 $_size_execute0_lowered;
	s4 =	sadd.s32 s4, s6;
	[dreg:$0x0] =	wrdreg $0x0  }
0x35: {  	s6 =	sshll.u32 s28, $0x1;
	[dreg:$0x2] =	wrdreg s4  }
0x36: {  	[dreg:$0x3] =	wrdreg s6  }
0x37: {  	[dreg:$0x4] =	wrdreg $0xC0  }
0x38: {  	_ =	task [dreg:s23], $0x5FFFF  }
0x39: {  	[dreg:$0x1] =	wrdreg $0xFFFFFFFF  }
0x3a: {  	[dreg:$0x0] =	wrdreg $0x60  }
0x3b: {  	[dreg:$0x2] =	wrdreg s25  }
0x3c: {  	[dreg:$0x3] =	wrdreg s18  }
0x3d: {  	[dreg:$0x4] =	wrdreg $0xA  }
0x3e: {  	_ =	task.clear_ibuf [dreg:s23], $0x5FFFF;
	_ =	strace $0x9000004C  }
0x3f: {  	s29 =	simm.s32 $0xA;
	_ =	strace $0x8000004E  }
0x40: {  	_ =	swait.ge [sflag:s29], $0x1  }
0x41: {  	[sflag:s29] =	ssyncadd.s32 $0xFFFFFFFF  }
0x42: {  	_ =	strace $0x9000004E  }
0x43: {  	_ =	sfence  }
0x44: {  	s30 =	sld [smem:$0x0];
	_ =	sdelay $0x2  }
0x45: {  	s31 =	sshll.u32 s1, $0xD;
	s1 =	sshrl.u32 s1, $0x2  }
0x46: {  	s4 =	sand.u32 $0x4000, s31;
	s1 =	sadd.s32 s1, s30  }
0x47: {  	s0 =	sor.u32 s4, s0;
	s1 =	sshll.u32 s1, $0x11  }
0x48: {  	s0 =	sor.u32 s1, s0  }
0x49: {  	s0 =	sadd.s32 $0x8F2B, s0  }
0x4a: {  	[sflag:s0] =	ssyncadd.remote.s32 $0x1  }
0x4b: {  	_ =	sfence.sel $0xFFFF  }
0x4c: {  	[dreg:$0x0] =	wrdreg $0xFFFFFFFF;
	(pc) =	sbr.abs _section_cstart, $3  }
0x4d: {  	[dreg:$0x1] =	wrdreg $0xFFFFFFFF  }
0x4e: {  	_ =	task.clear_ibuf [dreg:s23], $0x2FFFF;
	_ =	strace $0x9FFFFFFF  }
0x4f: {  	(tm) =	ssettm $0x7FFFFFFF  }
tec
execute0_lowered:
.L_overlay_start_1:
0x0: {  	(tag) =	ssettag $0x1  }
0x1: {  	s0 =	srdreg.scid  }
0x2: {  	s5 =	rddreg [dreg:$0x0];
	s1 =	sshll.u32 s0, $0x4  }
0x3: {  	s2 =	rddreg [dreg:$0x1];
	s0 =	stileid.u32;
	s1 =	sand.u32 $0x10, s1  }
0x4: {  	s4 =	simm.s32 $0x1;
	s8 =	simm.s32 $0x2;
	s1 =	sor.u32 s0, s1  }
0x5: {  	s12 =	simm.s32 $0x0;
	s9 =	simm.s32 $0x0;
	s3 =	sshll.u32 s1, $0x7  }
0x6: {  	s11 =	simm.s32 $0x0;
	s5 =	sadd.s32 $0x37B3200, s5;
	s6 =	ssub.s32 $0x30D400, s3  }
.Ltmp0:
0x7: {  	s1 =	rddreg [dreg:$0x2];
	s7 =	sand.u32 $0xF80, s6;
	(pc) =	sbr.rel .LBB1_1-.Ltmp0, $4  }
0x8: {  	_ =	strace $0x8000004D;
	p0 =	sne.s32 s7, $0x0;
	s7 =	simm.s32 $0x1  }
0x9: {  	[sflag:s4] =	ssyncpa.u1 $0x0;
	s6 =	sshrl.u32 s6, $0xC;
	s7 =	simm.s32 @!p0 $0x0  }
0xa: {  	s10 =	smov.u32 s3;
	[sflag:s8] =	ssyncpa.u1 $0x0;
	s6 =	sadd.s32 s7, s6  }
0xb: {  	s8 =	simm.s32 $0xC35000;
	p0 =	por $0x0, $0x0;
	s7 =	sadd.s32 $0x1, s6  }
.LBB1_4:
0xc: {  	s15 =	sshll.u32 s9, $0x2  }
0xd: {  	p1 =	sgt.s32 s9, $0x30D380;
	s16 =	sshrl.u32 s15, $0xA  }
0xe: {  	s17 =	smov.u32 s9;
	s18 =	sshra.s32 s9, $0x1F;
	s16 =	smulhi.u32 $0x53E2D7, s16  }
0xf: {  	s19 =	sand.u32 $0x7F, s9;
	s17 =	simm.s32 @!p1 $0x30D380;
	s18 =	sand.u32 s18, s9  }
0x10: {  	s15 =	sand.u32 $0xFFFFFE00, s15;
	s17 =	ssub.s32 s17, s18;
	s16 =	sshrl.u32 s16, $0x2  }
0x11: {  	s17 =	sadd.s32 $0xFFCF2C80, s17;
	s26 =	smul.u32 $0x30D400, s16  }
0x12: {  	s15 =	sor.u32 s19, s15;
	s27 =	sshll.u32 s17, $0x4;
	s16 =	sand.u32 $0x3, s16  }
0x13: {  	s28 =	ssub.s32 $0x800, s27;
	s16 =	smul.u32 $0x61A80, s16;
	s15 =	ssub.s32 s15, s26  }
0x14: {  	p1 =	sgt.s32 s17, $0x7F;
	s17 =	sshrl.u32 s28, $0x2;
	s29 =	sand.u32 $0x7, s15  }
0x15: {  	s15 =	sshrl.u32 s15, $0x3;
	s16 =	sadd.s32 s2, s16;
	s18 =	sshll.u32 s29, $0x12  }
0x16: {  	[tilespmem:s14+$0x0 ss:$0x81] =	vst.msk $0xffff, v0;
	s17 =	simm.s32 @p1 $0x0;
	s30 =	sadd.s32 s15, s16;
	s31 =	sor.u32 $0x200, s18  }
0x17: {  	[hbm4b:s30+s31] =	stream.strided.scatter [tilespmem:s13], [sflag:$0x2], s17, s8, s31, $0x20;
	[tilespmem:$0x4040] =	vst v63  }
.LBB1_5:
0x18: {  	p1 =	slt.u32 s11, $0x2  }
0x19: {  	p2 =	sgt.s32 @!p1 s12, $0x30D380  }
0x1a: {  	s13 =	smov.u32 s12;
	s14 =	sshra.s32 @!p1 s12, $0x1F;
	p2 =	por !p2, p1  }
0x1b: {  	s12 =	sand.u32 @!p1 s14, s12;
	s13 =	simm.s32 @p2 $0x30D380  }
0x1c: {  	s12 =	ssub.s32 @!p1 s13, s12  }
0x1d: {  	s12 =	sadd.s32 @!p1 $0xFFCF2C80, s12  }
0x1e: {  	s13 =	sshll.u32 @!p1 s12, $0x4  }
0x1f: {  	p2 =	sgt.s32 @!p1 s12, $0x7F;
	s12 =	ssub.s32 @!p1 $0x800, s13  }
0x20: {  	s14 =	sadd.s32 $0x1000, s10;
	p2 =	por !p2, p1;
	s12 =	sshrl.u32 @!p1 s12, $0x2  }
0x21: {  	s12 =	simm.s32 @!p2 $0x0;
	p2 =	sgt.s32 s14, $0x30D3FF  }
0x22: {  	s14 =	smov.u32 @p2 s3;
	p2 =	sne.s32 s11, s7  }
.Ltmp1:
0x23: {  	_ = 	snop;
	(pc) =	sbr.rel @!p2 .LBB1_6-.Ltmp1, $4  }
0x24: {  	s13 =	simm.s32 @!p1 $0x2  }
0x25: {  	p0 =	por !p0, !p0;
	_ =	swait.ge @!p1 [sflag:s13], s12;
	s15 =	ssub.s32 @!p1 $0x0, s12  }
0x26: {  	s12 =	smov.u32 s9;
	s11 =	sadd.s32 $0x1, s11;
	[sflag:s13] =	ssyncset.done @!p1 $0x0  }
0x27: {  	s9 =	smov.u32 s10;
	s10 =	smov.u32 s14;
	[sflag:s13] =	ssyncadd.s32 @!p1 s15  }
.LBB1_1:
0x28: {  	p1 =	sge.u32 s11, s6  }
0x29: {  	s13 =	sand.u32 @!p1 $0x1FFFFFF, s10  }
0x2a: {  	s14 =	smulhi.u32 @!p1 $0x14F8B59, s13;
	_ =	sdelay $0x1  }
0x2b: {  	s14 =	sshrl.u32 @!p1 s14, $0xE  }
0x2c: {  	s14 =	smul.u32 @!p1 $0x30D400, s14;
	_ =	sdelay $0x1  }
0x2d: {  	s31 =	sadd.s32 $0xFFFFFFFF, s11;
	s15 =	sxor.u32 @!p1 $0xFFFFFFFF, s11;
	s13 =	ssub.s32 @!p1 s13, s14  }
0x2e: {  	s16 =	simm.s32 @!p1 $0x80;
	s15 =	sshll.u32 @!p1 s15, $0xC;
	s13 =	sshll.u32 @!p1 s13, $0x4  }
0x2f: {  	s14 =	sand.u32 @!p1 $0x1000, s15;
	s15 =	simm.s32 @!p1 $0x20;
	s13 =	sadd.s32 @!p1 s5, s13  }
0x30: {  	[tilespmem:s14], [sflag:$0x1] =	stream.strided.gather @!p1 [hbm4b:s13+s15], $0x1000, s16, s15, $0x38;
	[tilespmem:$0x4040] =	vst v63  }
0x31: {  	p1 =	sge.u32 s31, s6  }
.Ltmp2:
0x32: {  	_ = 	snop;
	(pc) =	sbr.rel @p1 .LBB1_5-.Ltmp2, $1  }
0x33: {  	_ =	sdelay $0x3  }
0x34: {  	s13 =	simm.s32 $0x1  }
0x35: {  	_ =	swait.ge [sflag:s4], $0x1000;
	s13 =	simm.s32 @!p0 $0x0  }
0x36: {  	[sflag:s4] =	ssyncset.done $0x0;
	s14 =	sshll.u32 s13, $0xC  }
0x37: {  	[sflag:s4] =	ssyncadd.s32 $0xFFFFF000;
	s17 =	sor.u32 $0x10, s14  }
0x38: {  	s13 =	smul.u32 $0x4080, s13;
	v1 =	vld [tilespmem:s17+$0x0]  }
0x39: {  	s30 =	sand.u32 $0x1, s11;
	v0 =	vld [tilespmem:s17+$0xFFFFFFF0]  }
0x3a: {  	s14 =	smul.u32 $0x4080, s30;
	s13 =	sshrl.u32 s13, $0x2  }
0x3b: {  	s15 =	sor.u32 $0x2000, s13  }
0x3c: {  	s31 =	sshrl.u32 s14, $0x2;
	s14 =	sadd.s32 $0x0, s15  }
0x3d: {  	s16 =	simm.s32 $0x4;
	s17 =	sadd.s32 $0x20, s17;
	s13 =	sor.u32 $0x2000, s31;
	[tilespmem:s14+$0x810 ss:$0x81] =	vst.msk $0xffff, v1  }
.LBB1_3:
0x3e: {  	v1 =	vld [tilespmem:s17+$0x0];
	p1 =	sne.s32 s16, $0x1FC;
	[tilespmem:s14+$0x0 ss:$0x81] =	vst.msk $0xffff, v0;
	s14 =	smov.u32 s16;
	s16 =	sadd.s32 $0x4, s16  }
.Ltmp3:
0x3f: {  	v0 =	vld [tilespmem:s17+$0xFFFFFFF0];
	(pc) =	sbr.rel @p1 .LBB1_3-.Ltmp3, $4  }
0x40: {  	_ = 	snop  }
0x41: {  	s14 =	sshra.s32 s14, $0x2  }
0x42: {  	s14 =	sadd.s32 s14, s15  }
0x43: {  	s17 =	sadd.s32 $0x20, s17;
	[tilespmem:s14+$0x810 ss:$0x81] =	vst.msk $0xffff, v1  }
.Ltmp4:
0x44: {  	_ = 	snop;
	(pc) =	sbr.rel .LBB1_4-.Ltmp4, $1  }
0x45: {  	_ =	sdelay $0x3  }
.LBB1_6:
0x46: {  	_ =	sfence.sel $0x180000  }
0x47: {  	s2 =	simm.s32 $0x1;
	[bflag:$0x0] =	sbarrier.arrive $0xFFFF  }
0x48: {  	s31 =	simm.s32 $0x2;
	[sflag:s2] =	ssyncpa.u1 $0x1  }
0x49: {  	[sflag:s31] =	ssyncpa.u1 $0x1  }
0x4a: {  	p0 =	sne.s32 s0, $0x0;
	_ =	strace $0x9000004D  }
0x4b: {  	s0 =	sadd.s32 @!p0 $0x100000, s1;
	[bflag:$0x2] =	sbarrier.arrive $0xFFFF  }
0x4c: {  	[sflag:s0] =	ssyncadd.tile.s32 @!p0 $0x1;
	_ =	shalt  }
.Lfunc_end1:
_tile_overlayer_lowered:
.L_overlay_start_2:
0x4d: {  	(tag) =	ssettag $0x2  }
0x4e: {  	s0 =	rddreg [dreg:$0x0];
	s2 =	stileid.u32  }
0x4f: {  	s1 =	rddreg [dreg:$0x1];
	p0 =	sne.s32 s2, $0x0  }
0x50: {  	s3 =	rddreg [dreg:$0x2];
	[bflag:$0x3] =	sbarrier.arrive $0xFFFF;
	s2 =	simm.s32 @!p0 $0x1C01  }
0x51: {  	[timem:s3], [sflag:s2] =	dma.local @!p0 [hbm:s0], s1  }
0x52: {  	s0 =	simm.s32 @!p0 $0x1  }
0x53: {  	_ =	swait.ge @!p0 [sflag:s0], s1  }
0x54: {  	s1 =	ssub.s32 @!p0 $0x0, s1;
	[sflag:s0] =	ssyncset.done @!p0 $0x0  }
0x55: {  	[sflag:s0] =	ssyncadd.s32 @!p0 s1  }
0x56: {  	[bflag:$0x3] =	sbarrier.arrive $0xFFFF  }
0x57: {  	_ =	shalt  }

// kernel: sparse-core-data-format-call.cloned.1.call-start
scs
called_computation_lowered:
.L_overlay_start_0:
0x0: {  	s2 =	sld [smem:$0x3FD9]  }
0x1: {  	s3 =	sld [smem:$0x3FFE];
	_ =	sdelay $0x1  }
0x2: {  	s1 =	srdreg.scid  }
0x3: {  	s0 =	sand.u32 $0x1, s1  }
0x4: {  	s15 =	sshll.u32 s0, $0xA;
	s2 =	sadd.s32 s3, s2  }
0x5: {  	s2 =	sadd.s32 s2, s15  }
0x6: {  	[smem:$0x3FC5] =	sst s2  }
0x7: {  	_ = 	snop  }
0x8: {  	s2 =	sld [smem:$0x3FD0];
	_ =	sdelay $0x2  }
0x9: {  	s16 =	simm.s32 $0xB;
	s4 =	simm.s32 $0x10  }
0xa: {  	[smem:s4], [sflag:s16] =	dma.local [hbm:s2], $0x1  }
0xb: {  	_ =	swait.eq [sflag:s16], $0x1  }
0xc: {  	[sflag:s16] =	ssyncset.done $0x0  }
0xd: {  	[sflag:s16] =	ssyncadd.s32 $0xFFFFFFFF  }
0xe: {  	s17 =	sld [smem:$0x11];
	(tm) =	ssettm $0x1  }
0xf: {  	s18 =	sld [smem:$0x3FFB];
	_ =	sdelay $0x3  }
0x10: {  	_ =	strace s18  }
0x11: {  	s3 =	sld [smem:$0x3FFC];
	_ =	sdelay $0x3  }
0x12: {  	_ =	strace s3  }
0x13: {  	s3 =	sld [smem:$0x3FFD];
	_ =	sdelay $0x3  }
0x14: {  	_ =	strace s3  }
0x15: {  	_ =	strace $0x8FFFFFFF  }
0x16: {  	s19 =	sld [smem:$0x3FDB];
	_ =	sdelay $0x1  }
0x17: {  	s20 =	simm.s32 $_scs_section_size  }
0x18: {  	s5 =	simm.s32 $_size__tile_overlayer_lowered;
	s6 =	simm.s32 $_tile_overlayer_lowered  }
0x19: {  	s23 =	simm.s32 $0x1BFF;
	s22 =	sshll.u32 s6, $0x1;
	s3 =	sadd.s32 s20, s19  }
0x1a: {  	s7 =	simm.s32 $0x0;
	s21 =	sshll.u32 s5, $0x1;
	s5 =	sadd.s32 s22, s3  }
0x1b: {  	[timem:s7], [sflag:s23] =	dma.local [hbm:s5], s21  }
0x1c: {  	_ =	swait.ge [sflag:s23], s21  }
0x1d: {  	s4 =	ssub.s32 $0x0, s21;
	[sflag:s23] =	ssyncset.done $0x0  }
0x1e: {  	[sflag:s23] =	ssyncadd.s32 s4;
	_ =	sdelay $0x1  }
0x1f: {  	s24 =	simm.s32 $0x1B8B  }
0x20: {  	_ =	swait.ge [sflag:s24], $0x1  }
0x21: {  	[sflag:s24] =	ssyncset.done $0x0  }
0x22: {  	s26 =	simm.s32 $0x1B8E;
	s25 =	sld [smem:$0x3FFE];
	[sflag:s24] =	ssyncadd.s32 $0xFFFFFFFF  }
0x23: {  	s27 =	simm.s32 $execute0_lowered;
	[smem:$0x3FD2] =	sst s26  }
0x24: {  	s5 =	sshll.u32 s27, $0x1;
	_ =	strace $0x80000049;
	[dreg:$0x1] =	wrdreg $0xFFFFFFFF  }
0x25: {  	s28 =	simm.s32 $_size_execute0_lowered;
	s3 =	sadd.s32 s3, s5;
	[dreg:$0x0] =	wrdreg $0x0  }
0x26: {  	s5 =	sshll.u32 s28, $0x1;
	[dreg:$0x2] =	wrdreg s3  }
0x27: {  	[dreg:$0x3] =	wrdreg s5  }
0x28: {  	[dreg:$0x4] =	wrdreg $0xC0  }
0x29: {  	_ =	task [dreg:s7], $0x5FFFF  }
0x2a: {  	[dreg:$0x1] =	wrdreg $0xFFFFFFFF  }
0x2b: {  	[dreg:$0x0] =	wrdreg $0x60  }
0x2c: {  	[dreg:$0x2] =	wrdreg s25  }
0x2d: {  	[dreg:$0x3] =	wrdreg s17  }
0x2e: {  	[dreg:$0x4] =	wrdreg $0x9  }
0x2f: {  	_ =	task.clear_ibuf [dreg:s7], $0x5FFFF;
	_ =	strace $0x90000049  }
0x30: {  	s29 =	simm.s32 $0x9;
	_ =	strace $0x8000004B  }
0x31: {  	_ =	swait.ge [sflag:s29], $0x1  }
0x32: {  	[sflag:s29] =	ssyncadd.s32 $0xFFFFFFFF  }
0x33: {  	_ =	strace $0x9000004B  }
0x34: {  	_ =	sfence  }
0x35: {  	s30 =	sld [smem:$0x0];
	_ =	sdelay $0x2  }
0x36: {  	s31 =	sshll.u32 s1, $0xD;
	s1 =	sshrl.u32 s1, $0x2  }
0x37: {  	s3 =	sand.u32 $0x4000, s31;
	s1 =	sadd.s32 s1, s30  }
0x38: {  	s0 =	sor.u32 s3, s0;
	s1 =	sshll.u32 s1, $0x11  }
0x39: {  	s0 =	sor.u32 s1, s0  }
0x3a: {  	s0 =	sadd.s32 $0x8F2B, s0  }
0x3b: {  	[sflag:s0] =	ssyncadd.remote.s32 $0x1  }
0x3c: {  	_ =	sfence.sel $0xFFFF  }
0x3d: {  	[dreg:$0x0] =	wrdreg $0xFFFFFFFF;
	(pc) =	sbr.abs _section_cstart, $3  }
0x3e: {  	[dreg:$0x1] =	wrdreg $0xFFFFFFFF  }
0x3f: {  	_ =	task.clear_ibuf [dreg:s7], $0x2FFFF;
	_ =	strace $0x9FFFFFFF  }
0x40: {  	(tm) =	ssettm $0x7FFFFFFF  }
0x41: {  	_ =	shalt  }
tec
execute0_lowered:
.L_overlay_start_1:
0x0: {  	(tag) =	ssettag $0x1  }
0x1: {  	s0 =	srdreg.scid  }
0x2: {  	s5 =	rddreg [dreg:$0x0];
	s1 =	sshll.u32 s0, $0x4  }
0x3: {  	s2 =	rddreg [dreg:$0x1];
	s0 =	stileid.u32;
	s1 =	sand.u32 $0x10, s1  }
0x4: {  	s4 =	simm.s32 $0x1;
	s8 =	simm.s32 $0x2;
	s1 =	sor.u32 s0, s1  }
0x5: {  	s12 =	simm.s32 $0x0;
	s9 =	simm.s32 $0x0;
	s3 =	sshll.u32 s1, $0x7  }
0x6: {  	s11 =	simm.s32 $0x0;
	s5 =	sadd.s32 $0x6DF200, s5;
	s6 =	ssub.s32 $0x30D400, s3  }
.Ltmp0:
0x7: {  	s1 =	rddreg [dreg:$0x2];
	s7 =	sand.u32 $0xF80, s6;
	(pc) =	sbr.rel .LBB1_1-.Ltmp0, $4  }
0x8: {  	_ =	strace $0x8000004A;
	p0 =	sne.s32 s7, $0x0;
	s7 =	simm.s32 $0x1  }
0x9: {  	[sflag:s4] =	ssyncpa.u1 $0x0;
	s6 =	sshrl.u32 s6, $0xC;
	s7 =	simm.s32 @!p0 $0x0  }
0xa: {  	s10 =	smov.u32 s3;
	[sflag:s8] =	ssyncpa.u1 $0x0;
	s6 =	sadd.s32 s7, s6  }
0xb: {  	s8 =	simm.s32 $0xC35000;
	p0 =	por $0x0, $0x0;
	s7 =	sadd.s32 $0x1, s6  }
.LBB1_4:
0xc: {  	s15 =	sshll.u32 s9, $0x2  }
0xd: {  	p1 =	sgt.s32 s9, $0x30D380;
	s16 =	sshrl.u32 s15, $0xA  }
0xe: {  	s17 =	smov.u32 s9;
	s18 =	sshra.s32 s9, $0x1F;
	s16 =	smulhi.u32 $0x53E2D7, s16  }
0xf: {  	s19 =	sand.u32 $0x7F, s9;
	s17 =	simm.s32 @!p1 $0x30D380;
	s18 =	sand.u32 s18, s9  }
0x10: {  	s15 =	sand.u32 $0xFFFFFE00, s15;
	s17 =	ssub.s32 s17, s18;
	s16 =	sshrl.u32 s16, $0x2  }
0x11: {  	s17 =	sadd.s32 $0xFFCF2C80, s17;
	s26 =	smul.u32 $0x30D400, s16  }
0x12: {  	s15 =	sor.u32 s19, s15;
	s27 =	sshll.u32 s17, $0x4;
	s16 =	sand.u32 $0x3, s16  }
0x13: {  	s28 =	ssub.s32 $0x800, s27;
	s16 =	smul.u32 $0x61A80, s16;
	s15 =	ssub.s32 s15, s26  }
0x14: {  	p1 =	sgt.s32 s17, $0x7F;
	s17 =	sshrl.u32 s28, $0x2;
	s29 =	sand.u32 $0x7, s15  }
0x15: {  	s15 =	sshrl.u32 s15, $0x3;
	s16 =	sadd.s32 s2, s16;
	s18 =	sshll.u32 s29, $0x12  }
0x16: {  	[tilespmem:s14+$0x0 ss:$0x81] =	vst.msk $0xffff, v0;
	s17 =	simm.s32 @p1 $0x0;
	s30 =	sadd.s32 s15, s16;
	s31 =	sor.u32 $0x200, s18  }
0x17: {  	[hbm4b:s30+s31] =	stream.strided.scatter [tilespmem:s13], [sflag:$0x2], s17, s8, s31, $0x20;
	[tilespmem:$0x4040] =	vst v63  }
.LBB1_5:
0x18: {  	p1 =	slt.u32 s11, $0x2  }
0x19: {  	p2 =	sgt.s32 @!p1 s12, $0x30D380  }
0x1a: {  	s13 =	smov.u32 s12;
	s14 =	sshra.s32 @!p1 s12, $0x1F;
	p2 =	por !p2, p1  }
0x1b: {  	s12 =	sand.u32 @!p1 s14, s12;
	s13 =	simm.s32 @p2 $0x30D380  }
0x1c: {  	s12 =	ssub.s32 @!p1 s13, s12  }
0x1d: {  	s12 =	sadd.s32 @!p1 $0xFFCF2C80, s12  }
0x1e: {  	s13 =	sshll.u32 @!p1 s12, $0x4  }
0x1f: {  	p2 =	sgt.s32 @!p1 s12, $0x7F;
	s12 =	ssub.s32 @!p1 $0x800, s13  }
0x20: {  	s14 =	sadd.s32 $0x1000, s10;
	p2 =	por !p2, p1;
	s12 =	sshrl.u32 @!p1 s12, $0x2  }
0x21: {  	s12 =	simm.s32 @!p2 $0x0;
	p2 =	sgt.s32 s14, $0x30D3FF  }
0x22: {  	s14 =	smov.u32 @p2 s3;
	p2 =	sne.s32 s11, s7  }
.Ltmp1:
0x23: {  	_ = 	snop;
	(pc) =	sbr.rel @!p2 .LBB1_6-.Ltmp1, $4  }
0x24: {  	s13 =	simm.s32 @!p1 $0x2  }
0x25: {  	p0 =	por !p0, !p0;
	_ =	swait.ge @!p1 [sflag:s13], s12;
	s15 =	ssub.s32 @!p1 $0x0, s12  }
0x26: {  	s12 =	smov.u32 s9;
	s11 =	sadd.s32 $0x1, s11;
	[sflag:s13] =	ssyncset.done @!p1 $0x0  }
0x27: {  	s9 =	smov.u32 s10;
	s10 =	smov.u32 s14;
	[sflag:s13] =	ssyncadd.s32 @!p1 s15  }
.LBB1_1:
0x28: {  	p1 =	sge.u32 s11, s6  }
0x29: {  	s13 =	sand.u32 @!p1 $0x1FFFFFF, s10  }
0x2a: {  	s14 =	smulhi.u32 @!p1 $0x14F8B59, s13;
	_ =	sdelay $0x1  }
0x2b: {  	s14 =	sshrl.u32 @!p1 s14, $0xE  }
0x2c: {  	s14 =	smul.u32 @!p1 $0x30D400, s14;
	_ =	sdelay $0x1  }
0x2d: {  	s31 =	sadd.s32 $0xFFFFFFFF, s11;
	s15 =	sxor.u32 @!p1 $0xFFFFFFFF, s11;
	s13 =	ssub.s32 @!p1 s13, s14  }
0x2e: {  	s16 =	simm.s32 @!p1 $0x80;
	s15 =	sshll.u32 @!p1 s15, $0xC;
	s13 =	sshll.u32 @!p1 s13, $0x4  }
0x2f: {  	s14 =	sand.u32 @!p1 $0x1000, s15;
	s15 =	simm.s32 @!p1 $0x20;
	s13 =	sadd.s32 @!p1 s5, s13  }
0x30: {  	[tilespmem:s14], [sflag:$0x1] =	stream.strided.gather @!p1 [hbm4b:s13+s15], $0x1000, s16, s15, $0x38;
	[tilespmem:$0x4040] =	vst v63  }
0x31: {  	p1 =	sge.u32 s31, s6  }
.Ltmp2:
0x32: {  	_ = 	snop;
	(pc) =	sbr.rel @p1 .LBB1_5-.Ltmp2, $1  }
0x33: {  	_ =	sdelay $0x3  }
0x34: {  	s13 =	simm.s32 $0x1  }
0x35: {  	_ =	swait.ge [sflag:s4], $0x1000;
	s13 =	simm.s32 @!p0 $0x0  }
0x36: {  	[sflag:s4] =	ssyncset.done $0x0;
	s14 =	sshll.u32 s13, $0xC  }
0x37: {  	[sflag:s4] =	ssyncadd.s32 $0xFFFFF000;
	s17 =	sor.u32 $0x10, s14  }
0x38: {  	s13 =	smul.u32 $0x4080, s13;
	v1 =	vld [tilespmem:s17+$0x0]  }
0x39: {  	s30 =	sand.u32 $0x1, s11;
	v0 =	vld [tilespmem:s17+$0xFFFFFFF0]  }
0x3a: {  	s14 =	smul.u32 $0x4080, s30;
	s13 =	sshrl.u32 s13, $0x2  }
0x3b: {  	s15 =	sor.u32 $0x2000, s13  }
0x3c: {  	s31 =	sshrl.u32 s14, $0x2;
	s14 =	sadd.s32 $0x0, s15  }
0x3d: {  	s16 =	simm.s32 $0x4;
	s17 =	sadd.s32 $0x20, s17;
	s13 =	sor.u32 $0x2000, s31;
	[tilespmem:s14+$0x810 ss:$0x81] =	vst.msk $0xffff, v1  }
.LBB1_3:
0x3e: {  	v1 =	vld [tilespmem:s17+$0x0];
	p1 =	sne.s32 s16, $0x1FC;
	[tilespmem:s14+$0x0 ss:$0x81] =	vst.msk $0xffff, v0;
	s14 =	smov.u32 s16;
	s16 =	sadd.s32 $0x4, s16  }
.Ltmp3:
0x3f: {  	v0 =	vld [tilespmem:s17+$0xFFFFFFF0];
	(pc) =	sbr.rel @p1 .LBB1_3-.Ltmp3, $4  }
0x40: {  	_ = 	snop  }
0x41: {  	s14 =	sshra.s32 s14, $0x2  }
0x42: {  	s14 =	sadd.s32 s14, s15  }
0x43: {  	s17 =	sadd.s32 $0x20, s17;
	[tilespmem:s14+$0x810 ss:$0x81] =	vst.msk $0xffff, v1  }
.Ltmp4:
0x44: {  	_ = 	snop;
	(pc) =	sbr.rel .LBB1_4-.Ltmp4, $1  }
0x45: {  	_ =	sdelay $0x3  }
.LBB1_6:
0x46: {  	_ =	sfence.sel $0x180000  }
0x47: {  	s2 =	simm.s32 $0x1;
	[bflag:$0x0] =	sbarrier.arrive $0xFFFF  }
0x48: {  	s31 =	simm.s32 $0x2;
	[sflag:s2] =	ssyncpa.u1 $0x1  }
0x49: {  	[sflag:s31] =	ssyncpa.u1 $0x1  }
0x4a: {  	p0 =	sne.s32 s0, $0x0;
	_ =	strace $0x9000004A  }
0x4b: {  	s0 =	sadd.s32 @!p0 $0x100000, s1;
	[bflag:$0x2] =	sbarrier.arrive $0xFFFF  }
0x4c: {  	[sflag:s0] =	ssyncadd.tile.s32 @!p0 $0x1;
	_ =	shalt  }
.Lfunc_end1:
_tile_overlayer_lowered:
.L_overlay_start_2:
0x4d: {  	(tag) =	ssettag $0x2  }
0x4e: {  	s0 =	rddreg [dreg:$0x0];
	s2 =	stileid.u32  }
0x4f: {  	s1 =	rddreg [dreg:$0x1];
	p0 =	sne.s32 s2, $0x0  }
0x50: {  	s3 =	rddreg [dreg:$0x2];
	[bflag:$0x3] =	sbarrier.arrive $0xFFFF;
	s2 =	simm.s32 @!p0 $0x1C01  }
0x51: {  	[timem:s3], [sflag:s2] =	dma.local @!p0 [hbm:s0], s1  }
0x52: {  	s0 =	simm.s32 @!p0 $0x1  }
0x53: {  	_ =	swait.ge @!p0 [sflag:s0], s1  }
0x54: {  	s1 =	ssub.s32 @!p0 $0x0, s1;
	[sflag:s0] =	ssyncset.done @!p0 $0x0  }
0x55: {  	[sflag:s0] =	ssyncadd.s32 @!p0 s1  }
0x56: {  	[bflag:$0x3] =	sbarrier.arrive $0xFFFF  }
0x57: {  	_ =	shalt  }

</sc_bundles>
